<compile_context>
chip_gen: v7x
topology: tpu7x:2x2x1
jax: 0.10.2.dev20260603
libtpu: 0.0.44.dev20260713+nightly
codegen_flags: <defaults>
</compile_context>

<pallas_src>
import functools

import jax
import jax.numpy as jnp
from jax import lax
from jax.experimental import pallas as pl
from jax.experimental.pallas import tpu as pltpu
from jax.experimental.pallas import tpu_sc as plsc

_E = 64
_T = 262144
_L = 16
_NC = 2
_NS = 16
_NW = _NC * _NS
_CPT = _T // _NW
_NVEC = _CPT // _L
_NGRP = _NVEC // _L


def _search(csum_ref, pos):
    res = jnp.zeros((_L,), jnp.int32)
    for step in (32, 16, 8, 4, 2, 1):
        vals = plsc.load_gather(csum_ref, [res + (step - 1)])
        res = jnp.where(vals <= pos, res + step, res)
    return res


def _tec_body(counts_hbm, m_hbm, out_hbm, counts_v, csum_v, dirty_v, buf_v,
              sem):
    wid = lax.axis_index("s") * _NC + lax.axis_index("c")
    base = wid * _CPT
    iota = lax.iota(jnp.int32, _L)

    pltpu.sync_copy(counts_hbm, counts_v)

    scans = [plsc.cumsum(counts_v[pl.ds(g * _L, _L)])
             for g in range(_E // _L)]
    off = jnp.int32(0)
    csum_regs = []
    for g in range(_E // _L):
        s = scans[g] + off
        csum_regs.append(s)
        off = off + scans[g][_L - 1]
    total = off

    jmax = jnp.clip((total - base + 15) >> 4, 0, _NVEC)

    need_m = total < base + _CPT

    @pl.when(need_m)
    def _():
        pltpu.make_async_copy(
            m_hbm.at[pl.ds(base, _CPT)], buf_v.at[pl.ds(0, _CPT)],
            sem).start()

    for g in range(_E // _L):
        csum_v[pl.ds(g * _L, _L)] = csum_regs[g]

    ncarry = jnp.zeros((_L,), jnp.int32)
    for g in range(_E // _L):
        t = csum_regs[g] - base
        mask = (t >= 1) & (t < _CPT) & ((t & 15) != 0)
        dj = t >> 4
        pref = plsc.cumsum(mask.astype(jnp.int32))
        idx = jnp.maximum(ncarry + pref - 1, 0)
        plsc.store_scatter(dirty_v, [idx], dj, mask=mask)
        ncarry = ncarry + plsc.all_reduce_population_count(mask)
    ndirty = jnp.max(ncarry)

    @pl.when(need_m)
    def _():
        pltpu.make_async_copy(
            m_hbm.at[pl.ds(base, _CPT)], buf_v.at[pl.ds(0, _CPT)],
            sem).wait()

    jstr = jnp.maximum(jmax - 1, 0)
    msave = plsc.load_gather(buf_v, [jstr * _L + iota])

    @plsc.parallel_loop(0, _NGRP, 1, unroll=2)
    def _(g):
        blk = g * _L + iota
        avec = _search(csum_v, base + blk * _L)
        for u in range(_L):
            j = g * _L + u
            asp = iota * 0 + avec[u]
            dst = jnp.where(j < jmax, j * _L, _CPT)
            buf_v[pl.ds(dst, _L)] = asp

    def _fix(i, c):
        jsp = plsc.load_gather(dirty_v, [iota * 0 + i])
        pos = base + jsp * _L + iota
        res = _search(csum_v, pos)
        vals = jnp.where(pos < total, res, msave)
        plsc.store_scatter(buf_v, [jsp * _L + iota], vals)
        return c

    lax.fori_loop(0, ndirty, _fix, 0)

    pltpu.sync_copy(buf_v.at[pl.ds(0, _CPT)], out_hbm.at[pl.ds(base, _CPT)])


@jax.jit
def _run(counts, m_indices):
    mesh = plsc.VectorSubcoreMesh(
        core_axis_name="c", subcore_axis_name="s", num_cores=_NC)
    return pl.kernel(
        _tec_body,
        out_type=jax.ShapeDtypeStruct((_T,), jnp.int32),
        mesh=mesh,
        scratch_types=[
            pltpu.VMEM((_E,), jnp.int32),
            pltpu.VMEM((_E,), jnp.int32),
            pltpu.VMEM((2 * _E,), jnp.int32),
            pltpu.VMEM((_CPT + _L,), jnp.int32),
            pltpu.SemaphoreType.DMA,
        ],
        compiler_params=pltpu.CompilerParams(needs_layout_passes=False),
    )(counts, m_indices)


def kernel(num_recv_tokens_per_expert, expert_start_loc, m_indices):
    del expert_start_loc
    return _run(num_recv_tokens_per_expert, m_indices)

# --- scband reference (transcript-rebuilt; emitter-appended) ---
"""Pipeline reference for scband-model-3470333575383 (READ-ONLY COPY).

The authoritative reference and input builder live on the scoring server;
editing this copy changes nothing except your own understanding.
"""

import jax, jax.numpy as jnp
import numpy as np

NUM_EXPERTS = 64
TOTAL_TOKENS = 262144


def setup_inputs(seed: int = 0) -> dict:
    key = jax.random.key(seed)
    k1, k2 = jax.random.split(key)
    num_recv_tokens_per_expert = jax.random.randint(k1, (NUM_EXPERTS,), 0, 8192).astype(jnp.int32)
    expert_start_loc = jnp.zeros((NUM_EXPERTS,), dtype=jnp.int32)
    m_indices = jnp.zeros((TOTAL_TOKENS,), dtype=jnp.int32)
    return {
        "num_recv_tokens_per_expert": num_recv_tokens_per_expert,
        "expert_start_loc": expert_start_loc,
        "m_indices": m_indices,
    }


def reference(num_recv_tokens_per_expert, expert_start_loc, m_indices):
    # cumsum = inclusive_cumsum - counts  (i.e. exclusive cumsum = expert start locations)
    csum_incl = jnp.cumsum(num_recv_tokens_per_expert)
    expert_start = (csum_incl - num_recv_tokens_per_expert).astype(jnp.int32)  # faithful to expert_start_loc.copy_(cumsum)
    total_assigned = csum_incl[-1]
    T = m_indices.shape[0]
    pos = jnp.arange(T, dtype=jnp.int32)
    # For position i < total_assigned, expert id = number of inclusive-cumsum entries <= i
    # (equivalent to the per-expert range fill m_indices[start:start+count] = expert,
    #  with end clamped to T). Positions beyond total_assigned keep original m_indices values.
    assigned = jnp.searchsorted(csum_incl, pos, side="right").astype(jnp.int32)
    out = jnp.where(pos < total_assigned, assigned, m_indices)
    return out

if __name__ == "__main__":
    import jax
    _d = setup_inputs()
    print(jax.jit(kernel)(*tuple(_d.values())))

</pallas_src>

<mosaic_0001>
#map = affine_map<(d0, d1) -> (0)>
module attributes {stable_mosaic.version = 14 : i64} {
  func.func @_tec_body(%arg0: i32, %arg1: i32, %arg2: memref<64xi32, #tpu.memory_space<hbm>>, %arg3: memref<262144xi32, #tpu.memory_space<hbm>>, %arg4: memref<262144xi32, #tpu.memory_space<hbm>>, %arg5: memref<64xi32, #tpu.memory_space<vmem>>, %arg6: memref<64xi32, #tpu.memory_space<vmem>>, %arg7: memref<128xi32, #tpu.memory_space<vmem>>, %arg8: memref<8208xi32, #tpu.memory_space<vmem>>, %arg9: memref<!tpu.dma_semaphore, #tpu.memory_space<semaphore_mem>>) attributes {dimension_semantics = [#tpu.dimension_semantics<core_parallel>, #tpu.dimension_semantics<subcore_parallel>], iteration_bounds = array<i64: 2, 16>, scalar_prefetch = 0 : i64, scratch_operands = 5 : i64, tpu.core_type = #tpu.core_type<sc_vector_subcore>, window_params = [{transform_indices = #map}, {transform_indices = #map}, {transform_indices = #map}]} {
    %mul3A = arith.constant 2 : i32
    %mul3A_0 = arith.muli %arg1, %mul3A : i32
    %add3A = arith.addi %mul3A_0, %arg0 : i32
    %mul3A_1 = arith.constant 8192 : i32
    %mul3A_2 = arith.muli %add3A, %mul3A_1 : i32
    %iota3A = tpu.iota {dimensions = array<i32: 0>} : vector<16xi32>
    "tpu.region"() ({
      %run_scoped3A = tpu.sem_alloc : memref<!tpu.dma_semaphore, #tpu.memory_space<semaphore_mem>>
      tpu.enqueue_dma source(%arg2 : memref<64xi32, #tpu.memory_space<hbm>>) target(%arg5 : memref<64xi32, #tpu.memory_space<vmem>>) target_semaphore(%run_scoped3A : memref<!tpu.dma_semaphore, #tpu.memory_space<semaphore_mem>>)
      tpu.wait_dma2 semaphore(%run_scoped3A : memref<!tpu.dma_semaphore, #tpu.memory_space<semaphore_mem>>) src(%arg2 : memref<64xi32, #tpu.memory_space<hbm>>) dst(%arg5 : memref<64xi32, #tpu.memory_space<vmem>>)
      tpu.yield
    }) : () -> ()
    %get3A = arith.constant 0 : index
    %get3A_3 = tpu.vector_load %arg5[%get3A] {strides = array<i32>} : memref<64xi32, #tpu.memory_space<vmem>>, vector<16xi32>,
    %broadcast_in_dim3A = arith.constant true
    %broadcast_in_dim3A_4 = vector.broadcast %broadcast_in_dim3A : i1 to vector<16xi1>
    %masked_cumsum3A = tpu.scan <sum>, %get3A_3 masked %broadcast_in_dim3A_4 : vector<16xi32>, vector<16xi1> -> vector<16xi32>
    %get3A_5 = arith.constant 16 : index
    %get3A_6 = tpu.vector_load %arg5[%get3A_5] {strides = array<i32>} : memref<64xi32, #tpu.memory_space<vmem>>, vector<16xi32>,
    %broadcast_in_dim3A_7 = arith.constant true
    %broadcast_in_dim3A_8 = vector.broadcast %broadcast_in_dim3A_7 : i1 to vector<16xi1>
    %masked_cumsum3A_9 = tpu.scan <sum>, %get3A_6 masked %broadcast_in_dim3A_8 : vector<16xi32>, vector<16xi1> -> vector<16xi32>
    %get3A_10 = arith.constant 32 : index
    %get3A_11 = tpu.vector_load %arg5[%get3A_10] {strides = array<i32>} : memref<64xi32, #tpu.memory_space<vmem>>, vector<16xi32>,
    %broadcast_in_dim3A_12 = arith.constant true
    %broadcast_in_dim3A_13 = vector.broadcast %broadcast_in_dim3A_12 : i1 to vector<16xi1>
    %masked_cumsum3A_14 = tpu.scan <sum>, %get3A_11 masked %broadcast_in_dim3A_13 : vector<16xi32>, vector<16xi1> -> vector<16xi32>
    %get3A_15 = arith.constant 48 : index
    %get3A_16 = tpu.vector_load %arg5[%get3A_15] {strides = array<i32>} : memref<64xi32, #tpu.memory_space<vmem>>, vector<16xi32>,
    %broadcast_in_dim3A_17 = arith.constant true
    %broadcast_in_dim3A_18 = vector.broadcast %broadcast_in_dim3A_17 : i1 to vector<16xi1>
    %masked_cumsum3A_19 = tpu.scan <sum>, %get3A_16 masked %broadcast_in_dim3A_18 : vector<16xi32>, vector<16xi1> -> vector<16xi32>
    %add3A_20 = arith.constant 0 : i32
    %add3A_21 = vector.broadcast %add3A_20 : i32 to vector<16xi32>
    %add3A_22 = arith.addi %masked_cumsum3A, %add3A_21 : vector<16xi32>
    %slice3A = vector.extract_strided_slice %masked_cumsum3A {offsets = [15], sizes = [1], strides = [1]} : vector<16xi32> to vector<1xi32>
    %squeeze3A = vector.extract %slice3A[0] : i32 from vector<1xi32>
    %add3A_23 = arith.constant 0 : i32
    %add3A_24 = arith.addi %add3A_23, %squeeze3A : i32
    %add3A_25 = vector.broadcast %add3A_24 : i32 to vector<16xi32>
    %add3A_26 = arith.addi %masked_cumsum3A_9, %add3A_25 : vector<16xi32>
    %slice3A_27 = vector.extract_strided_slice %masked_cumsum3A_9 {offsets = [15], sizes = [1], strides = [1]} : vector<16xi32> to vector<1xi32>
    %squeeze3A_28 = vector.extract %slice3A_27[0] : i32 from vector<1xi32>
    %add3A_29 = arith.addi %add3A_24, %squeeze3A_28 : i32
    %add3A_30 = vector.broadcast %add3A_29 : i32 to vector<16xi32>
    %add3A_31 = arith.addi %masked_cumsum3A_14, %add3A_30 : vector<16xi32>
    %slice3A_32 = vector.extract_strided_slice %masked_cumsum3A_14 {offsets = [15], sizes = [1], strides = [1]} : vector<16xi32> to vector<1xi32>
    %squeeze3A_33 = vector.extract %slice3A_32[0] : i32 from vector<1xi32>
    %add3A_34 = arith.addi %add3A_29, %squeeze3A_33 : i32
    %add3A_35 = vector.broadcast %add3A_34 : i32 to vector<16xi32>
    %add3A_36 = arith.addi %masked_cumsum3A_19, %add3A_35 : vector<16xi32>
    %slice3A_37 = vector.extract_strided_slice %masked_cumsum3A_19 {offsets = [15], sizes = [1], strides = [1]} : vector<16xi32> to vector<1xi32>
    %squeeze3A_38 = vector.extract %slice3A_37[0] : i32 from vector<1xi32>
    %add3A_39 = arith.addi %add3A_34, %squeeze3A_38 : i32
    %sub3A = arith.subi %add3A_39, %mul3A_2 : i32
    %add3A_40 = arith.constant 15 : i32
    %add3A_41 = arith.addi %sub3A, %add3A_40 : i32
    %shift_right_arithmetic3A = arith.constant 4 : i32
    %shift_right_arithmetic3A_42 = arith.shrsi %add3A_41, %shift_right_arithmetic3A : i32
    %jit3A = arith.constant 0 : i32
    %jit3A_43 = arith.constant 512 : i32
    %max3A = arith.maxsi %jit3A, %shift_right_arithmetic3A_42 : i32
    %min3A = arith.minsi %jit3A_43, %max3A : i32
    %add3A_44 = arith.constant 8192 : i32
    %add3A_45 = arith.addi %mul3A_2, %add3A_44 : i32
    %lt3A = arith.cmpi slt, %add3A_39, %add3A_45 : i32
    %convert_element_type3A = arith.extui %lt3A : i1 to i32
    %cond3A = arith.constant 0 : i32
    %cond3A_46 = arith.cmpi ne, %convert_element_type3A, %cond3A : i32
    scf.if %cond3A_46 {
      %dma_start3A = arith.constant 0 : i32
      %dma_start3A_209 = tpu.memref_slice %arg8[%dma_start3A] : memref<8208xi32, #tpu.memory_space<vmem>> -> memref<8192xi32, #tpu.memory_space<vmem>>
      %dma_start3A_210 = tpu.memref_slice %arg3[%mul3A_2] : memref<262144xi32, #tpu.memory_space<hbm>> -> memref<8192xi32, #tpu.memory_space<hbm>>
      %dma_start3A_211 = arith.constant 0 : i32
      %dma_start3A_212 = tpu.memref_slice %arg8[%dma_start3A_211] : memref<8208xi32, #tpu.memory_space<vmem>> -> memref<8192xi32, #tpu.memory_space<vmem>>
      %dma_start3A_213 = tpu.memref_slice %arg3[%mul3A_2] : memref<262144xi32, #tpu.memory_space<hbm>> -> memref<8192xi32, #tpu.memory_space<hbm>>
      tpu.enqueue_dma source(%dma_start3A_213 : memref<8192xi32, #tpu.memory_space<hbm>>) target(%dma_start3A_212 : memref<8192xi32, #tpu.memory_space<vmem>>) target_semaphore(%arg9 : memref<!tpu.dma_semaphore, #tpu.memory_space<semaphore_mem>>)
    } else {
    }
    %swap3A = arith.constant 0 : index
    %swap3A_47 = tpu.vector_load %arg6[%swap3A] {strides = array<i32>} : memref<64xi32, #tpu.memory_space<vmem>>, vector<16xi32>,
    tpu.vector_store %arg6[%swap3A], %add3A_22 {strides = array<i32>} : memref<64xi32, #tpu.memory_space<vmem>>, vector<16xi32>,
    %swap3A_48 = arith.constant 16 : index
    %swap3A_49 = tpu.vector_load %arg6[%swap3A_48] {strides = array<i32>} : memref<64xi32, #tpu.memory_space<vmem>>, vector<16xi32>,
    tpu.vector_store %arg6[%swap3A_48], %add3A_26 {strides = array<i32>} : memref<64xi32, #tpu.memory_space<vmem>>, vector<16xi32>,
    %swap3A_50 = arith.constant 32 : index
    %swap3A_51 = tpu.vector_load %arg6[%swap3A_50] {strides = array<i32>} : memref<64xi32, #tpu.memory_space<vmem>>, vector<16xi32>,
    tpu.vector_store %arg6[%swap3A_50], %add3A_31 {strides = array<i32>} : memref<64xi32, #tpu.memory_space<vmem>>, vector<16xi32>,
    %swap3A_52 = arith.constant 48 : index
    %swap3A_53 = tpu.vector_load %arg6[%swap3A_52] {strides = array<i32>} : memref<64xi32, #tpu.memory_space<vmem>>, vector<16xi32>,
    tpu.vector_store %arg6[%swap3A_52], %add3A_36 {strides = array<i32>} : memref<64xi32, #tpu.memory_space<vmem>>, vector<16xi32>,
    %broadcast_in_dim3A_54 = arith.constant 0 : i32
    %broadcast_in_dim3A_55 = vector.broadcast %broadcast_in_dim3A_54 : i32 to vector<16xi32>
    %sub3A_56 = vector.broadcast %mul3A_2 : i32 to vector<16xi32>
    %sub3A_57 = arith.subi %add3A_22, %sub3A_56 : vector<16xi32>
    %ge3A = arith.constant 1 : i32
    %ge3A_58 = vector.broadcast %ge3A : i32 to vector<16xi32>
    %ge3A_59 = arith.cmpi sge, %sub3A_57, %ge3A_58 : vector<16xi32>
    %lt3A_60 = arith.constant 8192 : i32
    %lt3A_61 = vector.broadcast %lt3A_60 : i32 to vector<16xi32>
    %lt3A_62 = arith.cmpi slt, %sub3A_57, %lt3A_61 : vector<16xi32>
    %and3A = arith.andi %ge3A_59, %lt3A_62 : vector<16xi1>
    %and3A_63 = arith.constant 15 : i32
    %and3A_64 = vector.broadcast %and3A_63 : i32 to vector<16xi32>
    %and3A_65 = arith.andi %sub3A_57, %and3A_64 : vector<16xi32>
    %ne3A = arith.constant 0 : i32
    %ne3A_66 = vector.broadcast %ne3A : i32 to vector<16xi32>
    %ne3A_67 = arith.cmpi ne, %and3A_65, %ne3A_66 : vector<16xi32>
    %and3A_68 = arith.andi %and3A, %ne3A_67 : vector<16xi1>
    %shift_right_arithmetic3A_69 = arith.constant 4 : i32
    %shift_right_arithmetic3A_70 = vector.broadcast %shift_right_arithmetic3A_69 : i32 to vector<16xi32>
    %shift_right_arithmetic3A_71 = arith.shrsi %sub3A_57, %shift_right_arithmetic3A_70 : vector<16xi32>
    %convert_element_type3A_72 = arith.extui %and3A_68 : vector<16xi1> to vector<16xi32>
    %broadcast_in_dim3A_73 = arith.constant true
    %broadcast_in_dim3A_74 = vector.broadcast %broadcast_in_dim3A_73 : i1 to vector<16xi1>
    %masked_cumsum3A_75 = tpu.scan <sum>, %convert_element_type3A_72 masked %broadcast_in_dim3A_74 : vector<16xi32>, vector<16xi1> -> vector<16xi32>
    %add3A_76 = arith.addi %broadcast_in_dim3A_55, %masked_cumsum3A_75 : vector<16xi32>
    %sub3A_77 = arith.constant 1 : i32
    %sub3A_78 = vector.broadcast %sub3A_77 : i32 to vector<16xi32>
    %sub3A_79 = arith.subi %add3A_76, %sub3A_78 : vector<16xi32>
    %max3A_80 = arith.constant 0 : i32
    %max3A_81 = vector.broadcast %max3A_80 : i32 to vector<16xi32>
    %max3A_82 = arith.maxsi %sub3A_79, %max3A_81 : vector<16xi32>
    tpu.vector_store_idx %arg7[%max3A_82], %shift_right_arithmetic3A_71 masked %and3A_68 : memref<128xi32, #tpu.memory_space<vmem>>[vector<16xi32>], vector<16xi32>, vector<16xi1>
    %all_reduce_population_count3A = tpu.all_reduce %and3A_68 {dim = 0 : i64, kind = #tpu.reduction_kind<sum>} : vector<16xi1> -> vector<16xi32>
    %add3A_83 = arith.addi %broadcast_in_dim3A_55, %all_reduce_population_count3A : vector<16xi32>
    %sub3A_84 = vector.broadcast %mul3A_2 : i32 to vector<16xi32>
    %sub3A_85 = arith.subi %add3A_26, %sub3A_84 : vector<16xi32>
    %ge3A_86 = arith.constant 1 : i32
    %ge3A_87 = vector.broadcast %ge3A_86 : i32 to vector<16xi32>
    %ge3A_88 = arith.cmpi sge, %sub3A_85, %ge3A_87 : vector<16xi32>
    %lt3A_89 = arith.constant 8192 : i32
    %lt3A_90 = vector.broadcast %lt3A_89 : i32 to vector<16xi32>
    %lt3A_91 = arith.cmpi slt, %sub3A_85, %lt3A_90 : vector<16xi32>
    %and3A_92 = arith.andi %ge3A_88, %lt3A_91 : vector<16xi1>
    %and3A_93 = arith.constant 15 : i32
    %and3A_94 = vector.broadcast %and3A_93 : i32 to vector<16xi32>
    %and3A_95 = arith.andi %sub3A_85, %and3A_94 : vector<16xi32>
    %ne3A_96 = arith.constant 0 : i32
    %ne3A_97 = vector.broadcast %ne3A_96 : i32 to vector<16xi32>
    %ne3A_98 = arith.cmpi ne, %and3A_95, %ne3A_97 : vector<16xi32>
    %and3A_99 = arith.andi %and3A_92, %ne3A_98 : vector<16xi1>
    %shift_right_arithmetic3A_100 = arith.constant 4 : i32
    %shift_right_arithmetic3A_101 = vector.broadcast %shift_right_arithmetic3A_100 : i32 to vector<16xi32>
    %shift_right_arithmetic3A_102 = arith.shrsi %sub3A_85, %shift_right_arithmetic3A_101 : vector<16xi32>
    %convert_element_type3A_103 = arith.extui %and3A_99 : vector<16xi1> to vector<16xi32>
    %broadcast_in_dim3A_104 = arith.constant true
    %broadcast_in_dim3A_105 = vector.broadcast %broadcast_in_dim3A_104 : i1 to vector<16xi1>
    %masked_cumsum3A_106 = tpu.scan <sum>, %convert_element_type3A_103 masked %broadcast_in_dim3A_105 : vector<16xi32>, vector<16xi1> -> vector<16xi32>
    %add3A_107 = arith.addi %add3A_83, %masked_cumsum3A_106 : vector<16xi32>
    %sub3A_108 = arith.constant 1 : i32
    %sub3A_109 = vector.broadcast %sub3A_108 : i32 to vector<16xi32>
    %sub3A_110 = arith.subi %add3A_107, %sub3A_109 : vector<16xi32>
    %max3A_111 = arith.constant 0 : i32
    %max3A_112 = vector.broadcast %max3A_111 : i32 to vector<16xi32>
    %max3A_113 = arith.maxsi %sub3A_110, %max3A_112 : vector<16xi32>
    tpu.vector_store_idx %arg7[%max3A_113], %shift_right_arithmetic3A_102 masked %and3A_99 : memref<128xi32, #tpu.memory_space<vmem>>[vector<16xi32>], vector<16xi32>, vector<16xi1>
    %all_reduce_population_count3A_114 = tpu.all_reduce %and3A_99 {dim = 0 : i64, kind = #tpu.reduction_kind<sum>} : vector<16xi1> -> vector<16xi32>
    %add3A_115 = arith.addi %add3A_83, %all_reduce_population_count3A_114 : vector<16xi32>
    %sub3A_116 = vector.broadcast %mul3A_2 : i32 to vector<16xi32>
    %sub3A_117 = arith.subi %add3A_31, %sub3A_116 : vector<16xi32>
    %ge3A_118 = arith.constant 1 : i32
    %ge3A_119 = vector.broadcast %ge3A_118 : i32 to vector<16xi32>
    %ge3A_120 = arith.cmpi sge, %sub3A_117, %ge3A_119 : vector<16xi32>
    %lt3A_121 = arith.constant 8192 : i32
    %lt3A_122 = vector.broadcast %lt3A_121 : i32 to vector<16xi32>
    %lt3A_123 = arith.cmpi slt, %sub3A_117, %lt3A_122 : vector<16xi32>
    %and3A_124 = arith.andi %ge3A_120, %lt3A_123 : vector<16xi1>
    %and3A_125 = arith.constant 15 : i32
    %and3A_126 = vector.broadcast %and3A_125 : i32 to vector<16xi32>
    %and3A_127 = arith.andi %sub3A_117, %and3A_126 : vector<16xi32>
    %ne3A_128 = arith.constant 0 : i32
    %ne3A_129 = vector.broadcast %ne3A_128 : i32 to vector<16xi32>
    %ne3A_130 = arith.cmpi ne, %and3A_127, %ne3A_129 : vector<16xi32>
    %and3A_131 = arith.andi %and3A_124, %ne3A_130 : vector<16xi1>
    %shift_right_arithmetic3A_132 = arith.constant 4 : i32
    %shift_right_arithmetic3A_133 = vector.broadcast %shift_right_arithmetic3A_132 : i32 to vector<16xi32>
    %shift_right_arithmetic3A_134 = arith.shrsi %sub3A_117, %shift_right_arithmetic3A_133 : vector<16xi32>
    %convert_element_type3A_135 = arith.extui %and3A_131 : vector<16xi1> to vector<16xi32>
    %broadcast_in_dim3A_136 = arith.constant true
    %broadcast_in_dim3A_137 = vector.broadcast %broadcast_in_dim3A_136 : i1 to vector<16xi1>
    %masked_cumsum3A_138 = tpu.scan <sum>, %convert_element_type3A_135 masked %broadcast_in_dim3A_137 : vector<16xi32>, vector<16xi1> -> vector<16xi32>
    %add3A_139 = arith.addi %add3A_115, %masked_cumsum3A_138 : vector<16xi32>
    %sub3A_140 = arith.constant 1 : i32
    %sub3A_141 = vector.broadcast %sub3A_140 : i32 to vector<16xi32>
    %sub3A_142 = arith.subi %add3A_139, %sub3A_141 : vector<16xi32>
    %max3A_143 = arith.constant 0 : i32
    %max3A_144 = vector.broadcast %max3A_143 : i32 to vector<16xi32>
    %max3A_145 = arith.maxsi %sub3A_142, %max3A_144 : vector<16xi32>
    tpu.vector_store_idx %arg7[%max3A_145], %shift_right_arithmetic3A_134 masked %and3A_131 : memref<128xi32, #tpu.memory_space<vmem>>[vector<16xi32>], vector<16xi32>, vector<16xi1>
    %all_reduce_population_count3A_146 = tpu.all_reduce %and3A_131 {dim = 0 : i64, kind = #tpu.reduction_kind<sum>} : vector<16xi1> -> vector<16xi32>
    %add3A_147 = arith.addi %add3A_115, %all_reduce_population_count3A_146 : vector<16xi32>
    %sub3A_148 = vector.broadcast %mul3A_2 : i32 to vector<16xi32>
    %sub3A_149 = arith.subi %add3A_36, %sub3A_148 : vector<16xi32>
    %ge3A_150 = arith.constant 1 : i32
    %ge3A_151 = vector.broadcast %ge3A_150 : i32 to vector<16xi32>
    %ge3A_152 = arith.cmpi sge, %sub3A_149, %ge3A_151 : vector<16xi32>
    %lt3A_153 = arith.constant 8192 : i32
    %lt3A_154 = vector.broadcast %lt3A_153 : i32 to vector<16xi32>
    %lt3A_155 = arith.cmpi slt, %sub3A_149, %lt3A_154 : vector<16xi32>
    %and3A_156 = arith.andi %ge3A_152, %lt3A_155 : vector<16xi1>
    %and3A_157 = arith.constant 15 : i32
    %and3A_158 = vector.broadcast %and3A_157 : i32 to vector<16xi32>
    %and3A_159 = arith.andi %sub3A_149, %and3A_158 : vector<16xi32>
    %ne3A_160 = arith.constant 0 : i32
    %ne3A_161 = vector.broadcast %ne3A_160 : i32 to vector<16xi32>
    %ne3A_162 = arith.cmpi ne, %and3A_159, %ne3A_161 : vector<16xi32>
    %and3A_163 = arith.andi %and3A_156, %ne3A_162 : vector<16xi1>
    %shift_right_arithmetic3A_164 = arith.constant 4 : i32
    %shift_right_arithmetic3A_165 = vector.broadcast %shift_right_arithmetic3A_164 : i32 to vector<16xi32>
    %shift_right_arithmetic3A_166 = arith.shrsi %sub3A_149, %shift_right_arithmetic3A_165 : vector<16xi32>
    %convert_element_type3A_167 = arith.extui %and3A_163 : vector<16xi1> to vector<16xi32>
    %broadcast_in_dim3A_168 = arith.constant true
    %broadcast_in_dim3A_169 = vector.broadcast %broadcast_in_dim3A_168 : i1 to vector<16xi1>
    %masked_cumsum3A_170 = tpu.scan <sum>, %convert_element_type3A_167 masked %broadcast_in_dim3A_169 : vector<16xi32>, vector<16xi1> -> vector<16xi32>
    %add3A_171 = arith.addi %add3A_147, %masked_cumsum3A_170 : vector<16xi32>
    %sub3A_172 = arith.constant 1 : i32
    %sub3A_173 = vector.broadcast %sub3A_172 : i32 to vector<16xi32>
    %sub3A_174 = arith.subi %add3A_171, %sub3A_173 : vector<16xi32>
    %max3A_175 = arith.constant 0 : i32
    %max3A_176 = vector.broadcast %max3A_175 : i32 to vector<16xi32>
    %max3A_177 = arith.maxsi %sub3A_174, %max3A_176 : vector<16xi32>
    tpu.vector_store_idx %arg7[%max3A_177], %shift_right_arithmetic3A_166 masked %and3A_163 : memref<128xi32, #tpu.memory_space<vmem>>[vector<16xi32>], vector<16xi32>, vector<16xi1>
    %all_reduce_population_count3A_178 = tpu.all_reduce %and3A_163 {dim = 0 : i64, kind = #tpu.reduction_kind<sum>} : vector<16xi1> -> vector<16xi32>
    %add3A_179 = arith.addi %add3A_147, %all_reduce_population_count3A_178 : vector<16xi32>
    %reduce_max3A = arith.constant true
    %reduce_max3A_180 = vector.broadcast %reduce_max3A : i1 to vector<16xi1>
    %reduce_max3A_181 = arith.constant -2147483648 : i32
    %reduce_max3A_182 = vector.broadcast %reduce_max3A_181 : i32 to vector<16xi32>
    %reduce_max3A_183 = arith.xori %add3A_179, %reduce_max3A_182 : vector<16xi32>
    %reduce_max3A_184 = tpu.scan <max>, %reduce_max3A_183 masked %reduce_max3A_180 : vector<16xi32>, vector<16xi1> -> vector<16xi32>
    %reduce_max3A_185 = arith.xori %reduce_max3A_184, %reduce_max3A_182 : vector<16xi32>
    %reduce_max3A_186 = vector.extract %reduce_max3A_185[15] : i32 from vector<16xi32>
    %convert_element_type3A_187 = arith.extui %lt3A : i1 to i32
    %cond3A_188 = arith.constant 0 : i32
    %cond3A_189 = arith.cmpi ne, %convert_element_type3A_187, %cond3A_188 : i32
    scf.if %cond3A_189 {
      %dma_wait3A = arith.constant 0 : i32
      %dma_wait3A_209 = tpu.memref_slice %arg8[%dma_wait3A] : memref<8208xi32, #tpu.memory_space<vmem>> -> memref<8192xi32, #tpu.memory_space<vmem>>
      %dma_wait3A_210 = tpu.memref_slice %arg3[%mul3A_2] : memref<262144xi32, #tpu.memory_space<hbm>> -> memref<8192xi32, #tpu.memory_space<hbm>>
      %dma_wait3A_211 = arith.constant 0 : i32
      %dma_wait3A_212 = tpu.memref_slice %arg8[%dma_wait3A_211] : memref<8208xi32, #tpu.memory_space<vmem>> -> memref<8192xi32, #tpu.memory_space<vmem>>
      %dma_wait3A_213 = tpu.memref_slice %arg3[%mul3A_2] : memref<262144xi32, #tpu.memory_space<hbm>> -> memref<8192xi32, #tpu.memory_space<hbm>>
      tpu.wait_dma2 semaphore(%arg9 : memref<!tpu.dma_semaphore, #tpu.memory_space<semaphore_mem>>) src(%dma_wait3A_213 : memref<8192xi32, #tpu.memory_space<hbm>>) dst(%dma_wait3A_212 : memref<8192xi32, #tpu.memory_space<vmem>>)
    } else {
    }
    %sub3A_190 = arith.constant 1 : i32
    %sub3A_191 = arith.subi %min3A, %sub3A_190 : i32
    %max3A_192 = arith.constant 0 : i32
    %max3A_193 = arith.maxsi %sub3A_191, %max3A_192 : i32
    %mul3A_194 = arith.constant 16 : i32
    %mul3A_195 = arith.muli %max3A_193, %mul3A_194 : i32
    %add3A_196 = vector.broadcast %mul3A_195 : i32 to vector<16xi32>
    %add3A_197 = arith.addi %add3A_196, %iota3A : vector<16xi32>
    %gather3A = tpu.vector_load_idx %arg8[%add3A_197] : memref<8208xi32, #tpu.memory_space<vmem>>[vector<16xi32>], vector<16xi32>,
    %parallel_loop3A = arith.constant 0 : i32
    %parallel_loop3A_198 = arith.constant 32 : i32
    %parallel_loop3A_199 = arith.constant 1 : i32
    scf.for %parallel_loop3A_209 = %parallel_loop3A to %parallel_loop3A_198 step %parallel_loop3A_199  : i32 {
      %parallel_loop3A_210 = arith.constant 16 : i32
      %parallel_loop3A_211 = arith.muli %parallel_loop3A_209, %parallel_loop3A_210 : i32
      %parallel_loop3A_212 = vector.broadcast %parallel_loop3A_211 : i32 to vector<16xi32>
      %parallel_loop3A_213 = arith.addi %parallel_loop3A_212, %iota3A : vector<16xi32>
      %parallel_loop3A_214 = arith.constant 16 : i32
      %parallel_loop3A_215 = vector.broadcast %parallel_loop3A_214 : i32 to vector<16xi32>
      %parallel_loop3A_216 = arith.muli %parallel_loop3A_213, %parallel_loop3A_215 : vector<16xi32>
      %parallel_loop3A_217 = vector.broadcast %mul3A_2 : i32 to vector<16xi32>
      %parallel_loop3A_218 = arith.addi %parallel_loop3A_217, %parallel_loop3A_216 : vector<16xi32>
      %parallel_loop3A_219 = arith.constant 0 : i32
      %parallel_loop3A_220 = vector.broadcast %parallel_loop3A_219 : i32 to vector<16xi32>
      %parallel_loop3A_221 = arith.constant 31 : i32
      %parallel_loop3A_222 = vector.broadcast %parallel_loop3A_221 : i32 to vector<16xi32>
      %parallel_loop3A_223 = arith.addi %parallel_loop3A_220, %parallel_loop3A_222 : vector<16xi32>
      %parallel_loop3A_224 = tpu.vector_load_idx %arg6[%parallel_loop3A_223] : memref<64xi32, #tpu.memory_space<vmem>>[vector<16xi32>], vector<16xi32>,
      %parallel_loop3A_225 = arith.cmpi sle, %parallel_loop3A_224, %parallel_loop3A_218 : vector<16xi32>
      %parallel_loop3A_226 = arith.constant 32 : i32
      %parallel_loop3A_227 = vector.broadcast %parallel_loop3A_226 : i32 to vector<16xi32>
      %parallel_loop3A_228 = arith.addi %parallel_loop3A_220, %parallel_loop3A_227 : vector<16xi32>
      %parallel_loop3A_229 = arith.select %parallel_loop3A_225, %parallel_loop3A_228, %parallel_loop3A_220 : vector<16xi1>, vector<16xi32>
      %parallel_loop3A_230 = arith.constant 15 : i32
      %parallel_loop3A_231 = vector.broadcast %parallel_loop3A_230 : i32 to vector<16xi32>
      %parallel_loop3A_232 = arith.addi %parallel_loop3A_229, %parallel_loop3A_231 : vector<16xi32>
      %parallel_loop3A_233 = tpu.vector_load_idx %arg6[%parallel_loop3A_232] : memref<64xi32, #tpu.memory_space<vmem>>[vector<16xi32>], vector<16xi32>,
      %parallel_loop3A_234 = arith.cmpi sle, %parallel_loop3A_233, %parallel_loop3A_218 : vector<16xi32>
      %parallel_loop3A_235 = arith.constant 16 : i32
      %parallel_loop3A_236 = vector.broadcast %parallel_loop3A_235 : i32 to vector<16xi32>
      %parallel_loop3A_237 = arith.addi %parallel_loop3A_229, %parallel_loop3A_236 : vector<16xi32>
      %parallel_loop3A_238 = arith.select %parallel_loop3A_234, %parallel_loop3A_237, %parallel_loop3A_229 : vector<16xi1>, vector<16xi32>
      %parallel_loop3A_239 = arith.constant 7 : i32
      %parallel_loop3A_240 = vector.broadcast %parallel_loop3A_239 : i32 to vector<16xi32>
      %parallel_loop3A_241 = arith.addi %parallel_loop3A_238, %parallel_loop3A_240 : vector<16xi32>
      %parallel_loop3A_242 = tpu.vector_load_idx %arg6[%parallel_loop3A_241] : memref<64xi32, #tpu.memory_space<vmem>>[vector<16xi32>], vector<16xi32>,
      %parallel_loop3A_243 = arith.cmpi sle, %parallel_loop3A_242, %parallel_loop3A_218 : vector<16xi32>
      %parallel_loop3A_244 = arith.constant 8 : i32
      %parallel_loop3A_245 = vector.broadcast %parallel_loop3A_244 : i32 to vector<16xi32>
      %parallel_loop3A_246 = arith.addi %parallel_loop3A_238, %parallel_loop3A_245 : vector<16xi32>
      %parallel_loop3A_247 = arith.select %parallel_loop3A_243, %parallel_loop3A_246, %parallel_loop3A_238 : vector<16xi1>, vector<16xi32>
      %parallel_loop3A_248 = arith.constant 3 : i32
      %parallel_loop3A_249 = vector.broadcast %parallel_loop3A_248 : i32 to vector<16xi32>
      %parallel_loop3A_250 = arith.addi %parallel_loop3A_247, %parallel_loop3A_249 : vector<16xi32>
      %parallel_loop3A_251 = tpu.vector_load_idx %arg6[%parallel_loop3A_250] : memref<64xi32, #tpu.memory_space<vmem>>[vector<16xi32>], vector<16xi32>,
      %parallel_loop3A_252 = arith.cmpi sle, %parallel_loop3A_251, %parallel_loop3A_218 : vector<16xi32>
      %parallel_loop3A_253 = arith.constant 4 : i32
      %parallel_loop3A_254 = vector.broadcast %parallel_loop3A_253 : i32 to vector<16xi32>
      %parallel_loop3A_255 = arith.addi %parallel_loop3A_247, %parallel_loop3A_254 : vector<16xi32>
      %parallel_loop3A_256 = arith.select %parallel_loop3A_252, %parallel_loop3A_255, %parallel_loop3A_247 : vector<16xi1>, vector<16xi32>
      %parallel_loop3A_257 = arith.constant 1 : i32
      %parallel_loop3A_258 = vector.broadcast %parallel_loop3A_257 : i32 to vector<16xi32>
      %parallel_loop3A_259 = arith.addi %parallel_loop3A_256, %parallel_loop3A_258 : vector<16xi32>
      %parallel_loop3A_260 = tpu.vector_load_idx %arg6[%parallel_loop3A_259] : memref<64xi32, #tpu.memory_space<vmem>>[vector<16xi32>], vector<16xi32>,
      %parallel_loop3A_261 = arith.cmpi sle, %parallel_loop3A_260, %parallel_loop3A_218 : vector<16xi32>
      %parallel_loop3A_262 = arith.constant 2 : i32
      %parallel_loop3A_263 = vector.broadcast %parallel_loop3A_262 : i32 to vector<16xi32>
      %parallel_loop3A_264 = arith.addi %parallel_loop3A_256, %parallel_loop3A_263 : vector<16xi32>
      %parallel_loop3A_265 = arith.select %parallel_loop3A_261, %parallel_loop3A_264, %parallel_loop3A_256 : vector<16xi1>, vector<16xi32>
      %parallel_loop3A_266 = arith.constant 0 : i32
      %parallel_loop3A_267 = vector.broadcast %parallel_loop3A_266 : i32 to vector<16xi32>
      %parallel_loop3A_268 = arith.addi %parallel_loop3A_265, %parallel_loop3A_267 : vector<16xi32>
      %parallel_loop3A_269 = tpu.vector_load_idx %arg6[%parallel_loop3A_268] : memref<64xi32, #tpu.memory_space<vmem>>[vector<16xi32>], vector<16xi32>,
      %parallel_loop3A_270 = arith.cmpi sle, %parallel_loop3A_269, %parallel_loop3A_218 : vector<16xi32>
      %parallel_loop3A_271 = arith.constant 1 : i32
      %parallel_loop3A_272 = vector.broadcast %parallel_loop3A_271 : i32 to vector<16xi32>
      %parallel_loop3A_273 = arith.addi %parallel_loop3A_265, %parallel_loop3A_272 : vector<16xi32>
      %parallel_loop3A_274 = arith.select %parallel_loop3A_270, %parallel_loop3A_273, %parallel_loop3A_265 : vector<16xi1>, vector<16xi32>
      %parallel_loop3A_275 = arith.constant 16 : i32
      %parallel_loop3A_276 = arith.muli %parallel_loop3A_209, %parallel_loop3A_275 : i32
      %parallel_loop3A_277 = arith.constant 0 : i32
      %parallel_loop3A_278 = arith.addi %parallel_loop3A_276, %parallel_loop3A_277 : i32
      %parallel_loop3A_279 = arith.constant 0 : i32
      %parallel_loop3A_280 = vector.broadcast %parallel_loop3A_279 : i32 to vector<16xi32>
      %parallel_loop3A_281 = arith.muli %iota3A, %parallel_loop3A_280 : vector<16xi32>
      %parallel_loop3A_282 = vector.extract_strided_slice %parallel_loop3A_274 {offsets = [0], sizes = [1], strides = [1]} : vector<16xi32> to vector<1xi32>
      %parallel_loop3A_283 = vector.extract %parallel_loop3A_282[0] : i32 from vector<1xi32>
      %parallel_loop3A_284 = vector.broadcast %parallel_loop3A_283 : i32 to vector<16xi32>
      %parallel_loop3A_285 = arith.addi %parallel_loop3A_281, %parallel_loop3A_284 : vector<16xi32>
      %parallel_loop3A_286 = arith.cmpi slt, %parallel_loop3A_278, %min3A : i32
      %parallel_loop3A_287 = arith.constant 16 : i32
      %parallel_loop3A_288 = arith.muli %parallel_loop3A_278, %parallel_loop3A_287 : i32
      %parallel_loop3A_289 = arith.constant 8192 : i32
      %parallel_loop3A_290 = arith.select %parallel_loop3A_286, %parallel_loop3A_288, %parallel_loop3A_289 : i32
      %parallel_loop3A_291 = arith.index_cast %parallel_loop3A_290 : i32 to index
      %parallel_loop3A_292 = tpu.vector_load %arg8[%parallel_loop3A_291] {strides = array<i32>} : memref<8208xi32, #tpu.memory_space<vmem>>, vector<16xi32>,
      tpu.vector_store %arg8[%parallel_loop3A_291], %parallel_loop3A_285 {strides = array<i32>} : memref<8208xi32, #tpu.memory_space<vmem>>, vector<16xi32>,
      %parallel_loop3A_293 = arith.constant 16 : i32
      %parallel_loop3A_294 = arith.muli %parallel_loop3A_209, %parallel_loop3A_293 : i32
      %parallel_loop3A_295 = arith.constant 1 : i32
      %parallel_loop3A_296 = arith.addi %parallel_loop3A_294, %parallel_loop3A_295 : i32
      %parallel_loop3A_297 = arith.constant 0 : i32
      %parallel_loop3A_298 = vector.broadcast %parallel_loop3A_297 : i32 to vector<16xi32>
      %parallel_loop3A_299 = arith.muli %iota3A, %parallel_loop3A_298 : vector<16xi32>
      %parallel_loop3A_300 = vector.extract_strided_slice %parallel_loop3A_274 {offsets = [1], sizes = [1], strides = [1]} : vector<16xi32> to vector<1xi32>
      %parallel_loop3A_301 = vector.extract %parallel_loop3A_300[0] : i32 from vector<1xi32>
      %parallel_loop3A_302 = vector.broadcast %parallel_loop3A_301 : i32 to vector<16xi32>
      %parallel_loop3A_303 = arith.addi %parallel_loop3A_299, %parallel_loop3A_302 : vector<16xi32>
      %parallel_loop3A_304 = arith.cmpi slt, %parallel_loop3A_296, %min3A : i32
      %parallel_loop3A_305 = arith.constant 16 : i32
      %parallel_loop3A_306 = arith.muli %parallel_loop3A_296, %parallel_loop3A_305 : i32
      %parallel_loop3A_307 = arith.constant 8192 : i32
      %parallel_loop3A_308 = arith.select %parallel_loop3A_304, %parallel_loop3A_306, %parallel_loop3A_307 : i32
      %parallel_loop3A_309 = arith.index_cast %parallel_loop3A_308 : i32 to index
      %parallel_loop3A_310 = tpu.vector_load %arg8[%parallel_loop3A_309] {strides = array<i32>} : memref<8208xi32, #tpu.memory_space<vmem>>, vector<16xi32>,
      tpu.vector_store %arg8[%parallel_loop3A_309], %parallel_loop3A_303 {strides = array<i32>} : memref<8208xi32, #tpu.memory_space<vmem>>, vector<16xi32>,
      %parallel_loop3A_311 = arith.constant 16 : i32
      %parallel_loop3A_312 = arith.muli %parallel_loop3A_209, %parallel_loop3A_311 : i32
      %parallel_loop3A_313 = arith.constant 2 : i32
      %parallel_loop3A_314 = arith.addi %parallel_loop3A_312, %parallel_loop3A_313 : i32
      %parallel_loop3A_315 = arith.constant 0 : i32
      %parallel_loop3A_316 = vector.broadcast %parallel_loop3A_315 : i32 to vector<16xi32>
      %parallel_loop3A_317 = arith.muli %iota3A, %parallel_loop3A_316 : vector<16xi32>
      %parallel_loop3A_318 = vector.extract_strided_slice %parallel_loop3A_274 {offsets = [2], sizes = [1], strides = [1]} : vector<16xi32> to vector<1xi32>
      %parallel_loop3A_319 = vector.extract %parallel_loop3A_318[0] : i32 from vector<1xi32>
      %parallel_loop3A_320 = vector.broadcast %parallel_loop3A_319 : i32 to vector<16xi32>
      %parallel_loop3A_321 = arith.addi %parallel_loop3A_317, %parallel_loop3A_320 : vector<16xi32>
      %parallel_loop3A_322 = arith.cmpi slt, %parallel_loop3A_314, %min3A : i32
      %parallel_loop3A_323 = arith.constant 16 : i32
      %parallel_loop3A_324 = arith.muli %parallel_loop3A_314, %parallel_loop3A_323 : i32
      %parallel_loop3A_325 = arith.constant 8192 : i32
      %parallel_loop3A_326 = arith.select %parallel_loop3A_322, %parallel_loop3A_324, %parallel_loop3A_325 : i32
      %parallel_loop3A_327 = arith.index_cast %parallel_loop3A_326 : i32 to index
      %parallel_loop3A_328 = tpu.vector_load %arg8[%parallel_loop3A_327] {strides = array<i32>} : memref<8208xi32, #tpu.memory_space<vmem>>, vector<16xi32>,
      tpu.vector_store %arg8[%parallel_loop3A_327], %parallel_loop3A_321 {strides = array<i32>} : memref<8208xi32, #tpu.memory_space<vmem>>, vector<16xi32>,
      %parallel_loop3A_329 = arith.constant 16 : i32
      %parallel_loop3A_330 = arith.muli %parallel_loop3A_209, %parallel_loop3A_329 : i32
      %parallel_loop3A_331 = arith.constant 3 : i32
      %parallel_loop3A_332 = arith.addi %parallel_loop3A_330, %parallel_loop3A_331 : i32
      %parallel_loop3A_333 = arith.constant 0 : i32
      %parallel_loop3A_334 = vector.broadcast %parallel_loop3A_333 : i32 to vector<16xi32>
      %parallel_loop3A_335 = arith.muli %iota3A, %parallel_loop3A_334 : vector<16xi32>
      %parallel_loop3A_336 = vector.extract_strided_slice %parallel_loop3A_274 {offsets = [3], sizes = [1], strides = [1]} : vector<16xi32> to vector<1xi32>
      %parallel_loop3A_337 = vector.extract %parallel_loop3A_336[0] : i32 from vector<1xi32>
      %parallel_loop3A_338 = vector.broadcast %parallel_loop3A_337 : i32 to vector<16xi32>
      %parallel_loop3A_339 = arith.addi %parallel_loop3A_335, %parallel_loop3A_338 : vector<16xi32>
      %parallel_loop3A_340 = arith.cmpi slt, %parallel_loop3A_332, %min3A : i32
      %parallel_loop3A_341 = arith.constant 16 : i32
      %parallel_loop3A_342 = arith.muli %parallel_loop3A_332, %parallel_loop3A_341 : i32
      %parallel_loop3A_343 = arith.constant 8192 : i32
      %parallel_loop3A_344 = arith.select %parallel_loop3A_340, %parallel_loop3A_342, %parallel_loop3A_343 : i32
      %parallel_loop3A_345 = arith.index_cast %parallel_loop3A_344 : i32 to index
      %parallel_loop3A_346 = tpu.vector_load %arg8[%parallel_loop3A_345] {strides = array<i32>} : memref<8208xi32, #tpu.memory_space<vmem>>, vector<16xi32>,
      tpu.vector_store %arg8[%parallel_loop3A_345], %parallel_loop3A_339 {strides = array<i32>} : memref<8208xi32, #tpu.memory_space<vmem>>, vector<16xi32>,
      %parallel_loop3A_347 = arith.constant 16 : i32
      %parallel_loop3A_348 = arith.muli %parallel_loop3A_209, %parallel_loop3A_347 : i32
      %parallel_loop3A_349 = arith.constant 4 : i32
      %parallel_loop3A_350 = arith.addi %parallel_loop3A_348, %parallel_loop3A_349 : i32
      %parallel_loop3A_351 = arith.constant 0 : i32
      %parallel_loop3A_352 = vector.broadcast %parallel_loop3A_351 : i32 to vector<16xi32>
      %parallel_loop3A_353 = arith.muli %iota3A, %parallel_loop3A_352 : vector<16xi32>
      %parallel_loop3A_354 = vector.extract_strided_slice %parallel_loop3A_274 {offsets = [4], sizes = [1], strides = [1]} : vector<16xi32> to vector<1xi32>
      %parallel_loop3A_355 = vector.extract %parallel_loop3A_354[0] : i32 from vector<1xi32>
      %parallel_loop3A_356 = vector.broadcast %parallel_loop3A_355 : i32 to vector<16xi32>
      %parallel_loop3A_357 = arith.addi %parallel_loop3A_353, %parallel_loop3A_356 : vector<16xi32>
      %parallel_loop3A_358 = arith.cmpi slt, %parallel_loop3A_350, %min3A : i32
      %parallel_loop3A_359 = arith.constant 16 : i32
      %parallel_loop3A_360 = arith.muli %parallel_loop3A_350, %parallel_loop3A_359 : i32
      %parallel_loop3A_361 = arith.constant 8192 : i32
      %parallel_loop3A_362 = arith.select %parallel_loop3A_358, %parallel_loop3A_360, %parallel_loop3A_361 : i32
      %parallel_loop3A_363 = arith.index_cast %parallel_loop3A_362 : i32 to index
      %parallel_loop3A_364 = tpu.vector_load %arg8[%parallel_loop3A_363] {strides = array<i32>} : memref<8208xi32, #tpu.memory_space<vmem>>, vector<16xi32>,
      tpu.vector_store %arg8[%parallel_loop3A_363], %parallel_loop3A_357 {strides = array<i32>} : memref<8208xi32, #tpu.memory_space<vmem>>, vector<16xi32>,
      %parallel_loop3A_365 = arith.constant 16 : i32
      %parallel_loop3A_366 = arith.muli %parallel_loop3A_209, %parallel_loop3A_365 : i32
      %parallel_loop3A_367 = arith.constant 5 : i32
      %parallel_loop3A_368 = arith.addi %parallel_loop3A_366, %parallel_loop3A_367 : i32
      %parallel_loop3A_369 = arith.constant 0 : i32
      %parallel_loop3A_370 = vector.broadcast %parallel_loop3A_369 : i32 to vector<16xi32>
      %parallel_loop3A_371 = arith.muli %iota3A, %parallel_loop3A_370 : vector<16xi32>
      %parallel_loop3A_372 = vector.extract_strided_slice %parallel_loop3A_274 {offsets = [5], sizes = [1], strides = [1]} : vector<16xi32> to vector<1xi32>
      %parallel_loop3A_373 = vector.extract %parallel_loop3A_372[0] : i32 from vector<1xi32>
      %parallel_loop3A_374 = vector.broadcast %parallel_loop3A_373 : i32 to vector<16xi32>
      %parallel_loop3A_375 = arith.addi %parallel_loop3A_371, %parallel_loop3A_374 : vector<16xi32>
      %parallel_loop3A_376 = arith.cmpi slt, %parallel_loop3A_368, %min3A : i32
      %parallel_loop3A_377 = arith.constant 16 : i32
      %parallel_loop3A_378 = arith.muli %parallel_loop3A_368, %parallel_loop3A_377 : i32
      %parallel_loop3A_379 = arith.constant 8192 : i32
      %parallel_loop3A_380 = arith.select %parallel_loop3A_376, %parallel_loop3A_378, %parallel_loop3A_379 : i32
      %parallel_loop3A_381 = arith.index_cast %parallel_loop3A_380 : i32 to index
      %parallel_loop3A_382 = tpu.vector_load %arg8[%parallel_loop3A_381] {strides = array<i32>} : memref<8208xi32, #tpu.memory_space<vmem>>, vector<16xi32>,
      tpu.vector_store %arg8[%parallel_loop3A_381], %parallel_loop3A_375 {strides = array<i32>} : memref<8208xi32, #tpu.memory_space<vmem>>, vector<16xi32>,
      %parallel_loop3A_383 = arith.constant 16 : i32
      %parallel_loop3A_384 = arith.muli %parallel_loop3A_209, %parallel_loop3A_383 : i32
      %parallel_loop3A_385 = arith.constant 6 : i32
      %parallel_loop3A_386 = arith.addi %parallel_loop3A_384, %parallel_loop3A_385 : i32
      %parallel_loop3A_387 = arith.constant 0 : i32
      %parallel_loop3A_388 = vector.broadcast %parallel_loop3A_387 : i32 to vector<16xi32>
      %parallel_loop3A_389 = arith.muli %iota3A, %parallel_loop3A_388 : vector<16xi32>
      %parallel_loop3A_390 = vector.extract_strided_slice %parallel_loop3A_274 {offsets = [6], sizes = [1], strides = [1]} : vector<16xi32> to vector<1xi32>
      %parallel_loop3A_391 = vector.extract %parallel_loop3A_390[0] : i32 from vector<1xi32>
      %parallel_loop3A_392 = vector.broadcast %parallel_loop3A_391 : i32 to vector<16xi32>
      %parallel_loop3A_393 = arith.addi %parallel_loop3A_389, %parallel_loop3A_392 : vector<16xi32>
      %parallel_loop3A_394 = arith.cmpi slt, %parallel_loop3A_386, %min3A : i32
      %parallel_loop3A_395 = arith.constant 16 : i32
      %parallel_loop3A_396 = arith.muli %parallel_loop3A_386, %parallel_loop3A_395 : i32
      %parallel_loop3A_397 = arith.constant 8192 : i32
      %parallel_loop3A_398 = arith.select %parallel_loop3A_394, %parallel_loop3A_396, %parallel_loop3A_397 : i32
      %parallel_loop3A_399 = arith.index_cast %parallel_loop3A_398 : i32 to index
      %parallel_loop3A_400 = tpu.vector_load %arg8[%parallel_loop3A_399] {strides = array<i32>} : memref<8208xi32, #tpu.memory_space<vmem>>, vector<16xi32>,
      tpu.vector_store %arg8[%parallel_loop3A_399], %parallel_loop3A_393 {strides = array<i32>} : memref<8208xi32, #tpu.memory_space<vmem>>, vector<16xi32>,
      %parallel_loop3A_401 = arith.constant 16 : i32
      %parallel_loop3A_402 = arith.muli %parallel_loop3A_209, %parallel_loop3A_401 : i32
      %parallel_loop3A_403 = arith.constant 7 : i32
      %parallel_loop3A_404 = arith.addi %parallel_loop3A_402, %parallel_loop3A_403 : i32
      %parallel_loop3A_405 = arith.constant 0 : i32
      %parallel_loop3A_406 = vector.broadcast %parallel_loop3A_405 : i32 to vector<16xi32>
      %parallel_loop3A_407 = arith.muli %iota3A, %parallel_loop3A_406 : vector<16xi32>
      %parallel_loop3A_408 = vector.extract_strided_slice %parallel_loop3A_274 {offsets = [7], sizes = [1], strides = [1]} : vector<16xi32> to vector<1xi32>
      %parallel_loop3A_409 = vector.extract %parallel_loop3A_408[0] : i32 from vector<1xi32>
      %parallel_loop3A_410 = vector.broadcast %parallel_loop3A_409 : i32 to vector<16xi32>
      %parallel_loop3A_411 = arith.addi %parallel_loop3A_407, %parallel_loop3A_410 : vector<16xi32>
      %parallel_loop3A_412 = arith.cmpi slt, %parallel_loop3A_404, %min3A : i32
      %parallel_loop3A_413 = arith.constant 16 : i32
      %parallel_loop3A_414 = arith.muli %parallel_loop3A_404, %parallel_loop3A_413 : i32
      %parallel_loop3A_415 = arith.constant 8192 : i32
      %parallel_loop3A_416 = arith.select %parallel_loop3A_412, %parallel_loop3A_414, %parallel_loop3A_415 : i32
      %parallel_loop3A_417 = arith.index_cast %parallel_loop3A_416 : i32 to index
      %parallel_loop3A_418 = tpu.vector_load %arg8[%parallel_loop3A_417] {strides = array<i32>} : memref<8208xi32, #tpu.memory_space<vmem>>, vector<16xi32>,
      tpu.vector_store %arg8[%parallel_loop3A_417], %parallel_loop3A_411 {strides = array<i32>} : memref<8208xi32, #tpu.memory_space<vmem>>, vector<16xi32>,
      %parallel_loop3A_419 = arith.constant 16 : i32
      %parallel_loop3A_420 = arith.muli %parallel_loop3A_209, %parallel_loop3A_419 : i32
      %parallel_loop3A_421 = arith.constant 8 : i32
      %parallel_loop3A_422 = arith.addi %parallel_loop3A_420, %parallel_loop3A_421 : i32
      %parallel_loop3A_423 = arith.constant 0 : i32
      %parallel_loop3A_424 = vector.broadcast %parallel_loop3A_423 : i32 to vector<16xi32>
      %parallel_loop3A_425 = arith.muli %iota3A, %parallel_loop3A_424 : vector<16xi32>
      %parallel_loop3A_426 = vector.extract_strided_slice %parallel_loop3A_274 {offsets = [8], sizes = [1], strides = [1]} : vector<16xi32> to vector<1xi32>
      %parallel_loop3A_427 = vector.extract %parallel_loop3A_426[0] : i32 from vector<1xi32>
      %parallel_loop3A_428 = vector.broadcast %parallel_loop3A_427 : i32 to vector<16xi32>
      %parallel_loop3A_429 = arith.addi %parallel_loop3A_425, %parallel_loop3A_428 : vector<16xi32>
      %parallel_loop3A_430 = arith.cmpi slt, %parallel_loop3A_422, %min3A : i32
      %parallel_loop3A_431 = arith.constant 16 : i32
      %parallel_loop3A_432 = arith.muli %parallel_loop3A_422, %parallel_loop3A_431 : i32
      %parallel_loop3A_433 = arith.constant 8192 : i32
      %parallel_loop3A_434 = arith.select %parallel_loop3A_430, %parallel_loop3A_432, %parallel_loop3A_433 : i32
      %parallel_loop3A_435 = arith.index_cast %parallel_loop3A_434 : i32 to index
      %parallel_loop3A_436 = tpu.vector_load %arg8[%parallel_loop3A_435] {strides = array<i32>} : memref<8208xi32, #tpu.memory_space<vmem>>, vector<16xi32>,
      tpu.vector_store %arg8[%parallel_loop3A_435], %parallel_loop3A_429 {strides = array<i32>} : memref<8208xi32, #tpu.memory_space<vmem>>, vector<16xi32>,
      %parallel_loop3A_437 = arith.constant 16 : i32
      %parallel_loop3A_438 = arith.muli %parallel_loop3A_209, %parallel_loop3A_437 : i32
      %parallel_loop3A_439 = arith.constant 9 : i32
      %parallel_loop3A_440 = arith.addi %parallel_loop3A_438, %parallel_loop3A_439 : i32
      %parallel_loop3A_441 = arith.constant 0 : i32
      %parallel_loop3A_442 = vector.broadcast %parallel_loop3A_441 : i32 to vector<16xi32>
      %parallel_loop3A_443 = arith.muli %iota3A, %parallel_loop3A_442 : vector<16xi32>
      %parallel_loop3A_444 = vector.extract_strided_slice %parallel_loop3A_274 {offsets = [9], sizes = [1], strides = [1]} : vector<16xi32> to vector<1xi32>
      %parallel_loop3A_445 = vector.extract %parallel_loop3A_444[0] : i32 from vector<1xi32>
      %parallel_loop3A_446 = vector.broadcast %parallel_loop3A_445 : i32 to vector<16xi32>
      %parallel_loop3A_447 = arith.addi %parallel_loop3A_443, %parallel_loop3A_446 : vector<16xi32>
      %parallel_loop3A_448 = arith.cmpi slt, %parallel_loop3A_440, %min3A : i32
      %parallel_loop3A_449 = arith.constant 16 : i32
      %parallel_loop3A_450 = arith.muli %parallel_loop3A_440, %parallel_loop3A_449 : i32
      %parallel_loop3A_451 = arith.constant 8192 : i32
      %parallel_loop3A_452 = arith.select %parallel_loop3A_448, %parallel_loop3A_450, %parallel_loop3A_451 : i32
      %parallel_loop3A_453 = arith.index_cast %parallel_loop3A_452 : i32 to index
      %parallel_loop3A_454 = tpu.vector_load %arg8[%parallel_loop3A_453] {strides = array<i32>} : memref<8208xi32, #tpu.memory_space<vmem>>, vector<16xi32>,
      tpu.vector_store %arg8[%parallel_loop3A_453], %parallel_loop3A_447 {strides = array<i32>} : memref<8208xi32, #tpu.memory_space<vmem>>, vector<16xi32>,
      %parallel_loop3A_455 = arith.constant 16 : i32
      %parallel_loop3A_456 = arith.muli %parallel_loop3A_209, %parallel_loop3A_455 : i32
      %parallel_loop3A_457 = arith.constant 10 : i32
      %parallel_loop3A_458 = arith.addi %parallel_loop3A_456, %parallel_loop3A_457 : i32
      %parallel_loop3A_459 = arith.constant 0 : i32
      %parallel_loop3A_460 = vector.broadcast %parallel_loop3A_459 : i32 to vector<16xi32>
      %parallel_loop3A_461 = arith.muli %iota3A, %parallel_loop3A_460 : vector<16xi32>
      %parallel_loop3A_462 = vector.extract_strided_slice %parallel_loop3A_274 {offsets = [10], sizes = [1], strides = [1]} : vector<16xi32> to vector<1xi32>
      %parallel_loop3A_463 = vector.extract %parallel_loop3A_462[0] : i32 from vector<1xi32>
      %parallel_loop3A_464 = vector.broadcast %parallel_loop3A_463 : i32 to vector<16xi32>
      %parallel_loop3A_465 = arith.addi %parallel_loop3A_461, %parallel_loop3A_464 : vector<16xi32>
      %parallel_loop3A_466 = arith.cmpi slt, %parallel_loop3A_458, %min3A : i32
      %parallel_loop3A_467 = arith.constant 16 : i32
      %parallel_loop3A_468 = arith.muli %parallel_loop3A_458, %parallel_loop3A_467 : i32
      %parallel_loop3A_469 = arith.constant 8192 : i32
      %parallel_loop3A_470 = arith.select %parallel_loop3A_466, %parallel_loop3A_468, %parallel_loop3A_469 : i32
      %parallel_loop3A_471 = arith.index_cast %parallel_loop3A_470 : i32 to index
      %parallel_loop3A_472 = tpu.vector_load %arg8[%parallel_loop3A_471] {strides = array<i32>} : memref<8208xi32, #tpu.memory_space<vmem>>, vector<16xi32>,
      tpu.vector_store %arg8[%parallel_loop3A_471], %parallel_loop3A_465 {strides = array<i32>} : memref<8208xi32, #tpu.memory_space<vmem>>, vector<16xi32>,
      %parallel_loop3A_473 = arith.constant 16 : i32
      %parallel_loop3A_474 = arith.muli %parallel_loop3A_209, %parallel_loop3A_473 : i32
      %parallel_loop3A_475 = arith.constant 11 : i32
      %parallel_loop3A_476 = arith.addi %parallel_loop3A_474, %parallel_loop3A_475 : i32
      %parallel_loop3A_477 = arith.constant 0 : i32
      %parallel_loop3A_478 = vector.broadcast %parallel_loop3A_477 : i32 to vector<16xi32>
      %parallel_loop3A_479 = arith.muli %iota3A, %parallel_loop3A_478 : vector<16xi32>
      %parallel_loop3A_480 = vector.extract_strided_slice %parallel_loop3A_274 {offsets = [11], sizes = [1], strides = [1]} : vector<16xi32> to vector<1xi32>
      %parallel_loop3A_481 = vector.extract %parallel_loop3A_480[0] : i32 from vector<1xi32>
      %parallel_loop3A_482 = vector.broadcast %parallel_loop3A_481 : i32 to vector<16xi32>
      %parallel_loop3A_483 = arith.addi %parallel_loop3A_479, %parallel_loop3A_482 : vector<16xi32>
      %parallel_loop3A_484 = arith.cmpi slt, %parallel_loop3A_476, %min3A : i32
      %parallel_loop3A_485 = arith.constant 16 : i32
      %parallel_loop3A_486 = arith.muli %parallel_loop3A_476, %parallel_loop3A_485 : i32
      %parallel_loop3A_487 = arith.constant 8192 : i32
      %parallel_loop3A_488 = arith.select %parallel_loop3A_484, %parallel_loop3A_486, %parallel_loop3A_487 : i32
      %parallel_loop3A_489 = arith.index_cast %parallel_loop3A_488 : i32 to index
      %parallel_loop3A_490 = tpu.vector_load %arg8[%parallel_loop3A_489] {strides = array<i32>} : memref<8208xi32, #tpu.memory_space<vmem>>, vector<16xi32>,
      tpu.vector_store %arg8[%parallel_loop3A_489], %parallel_loop3A_483 {strides = array<i32>} : memref<8208xi32, #tpu.memory_space<vmem>>, vector<16xi32>,
      %parallel_loop3A_491 = arith.constant 16 : i32
      %parallel_loop3A_492 = arith.muli %parallel_loop3A_209, %parallel_loop3A_491 : i32
      %parallel_loop3A_493 = arith.constant 12 : i32
      %parallel_loop3A_494 = arith.addi %parallel_loop3A_492, %parallel_loop3A_493 : i32
      %parallel_loop3A_495 = arith.constant 0 : i32
      %parallel_loop3A_496 = vector.broadcast %parallel_loop3A_495 : i32 to vector<16xi32>
      %parallel_loop3A_497 = arith.muli %iota3A, %parallel_loop3A_496 : vector<16xi32>
      %parallel_loop3A_498 = vector.extract_strided_slice %parallel_loop3A_274 {offsets = [12], sizes = [1], strides = [1]} : vector<16xi32> to vector<1xi32>
      %parallel_loop3A_499 = vector.extract %parallel_loop3A_498[0] : i32 from vector<1xi32>
      %parallel_loop3A_500 = vector.broadcast %parallel_loop3A_499 : i32 to vector<16xi32>
      %parallel_loop3A_501 = arith.addi %parallel_loop3A_497, %parallel_loop3A_500 : vector<16xi32>
      %parallel_loop3A_502 = arith.cmpi slt, %parallel_loop3A_494, %min3A : i32
      %parallel_loop3A_503 = arith.constant 16 : i32
      %parallel_loop3A_504 = arith.muli %parallel_loop3A_494, %parallel_loop3A_503 : i32
      %parallel_loop3A_505 = arith.constant 8192 : i32
      %parallel_loop3A_506 = arith.select %parallel_loop3A_502, %parallel_loop3A_504, %parallel_loop3A_505 : i32
      %parallel_loop3A_507 = arith.index_cast %parallel_loop3A_506 : i32 to index
      %parallel_loop3A_508 = tpu.vector_load %arg8[%parallel_loop3A_507] {strides = array<i32>} : memref<8208xi32, #tpu.memory_space<vmem>>, vector<16xi32>,
      tpu.vector_store %arg8[%parallel_loop3A_507], %parallel_loop3A_501 {strides = array<i32>} : memref<8208xi32, #tpu.memory_space<vmem>>, vector<16xi32>,
      %parallel_loop3A_509 = arith.constant 16 : i32
      %parallel_loop3A_510 = arith.muli %parallel_loop3A_209, %parallel_loop3A_509 : i32
      %parallel_loop3A_511 = arith.constant 13 : i32
      %parallel_loop3A_512 = arith.addi %parallel_loop3A_510, %parallel_loop3A_511 : i32
      %parallel_loop3A_513 = arith.constant 0 : i32
      %parallel_loop3A_514 = vector.broadcast %parallel_loop3A_513 : i32 to vector<16xi32>
      %parallel_loop3A_515 = arith.muli %iota3A, %parallel_loop3A_514 : vector<16xi32>
      %parallel_loop3A_516 = vector.extract_strided_slice %parallel_loop3A_274 {offsets = [13], sizes = [1], strides = [1]} : vector<16xi32> to vector<1xi32>
      %parallel_loop3A_517 = vector.extract %parallel_loop3A_516[0] : i32 from vector<1xi32>
      %parallel_loop3A_518 = vector.broadcast %parallel_loop3A_517 : i32 to vector<16xi32>
      %parallel_loop3A_519 = arith.addi %parallel_loop3A_515, %parallel_loop3A_518 : vector<16xi32>
      %parallel_loop3A_520 = arith.cmpi slt, %parallel_loop3A_512, %min3A : i32
      %parallel_loop3A_521 = arith.constant 16 : i32
      %parallel_loop3A_522 = arith.muli %parallel_loop3A_512, %parallel_loop3A_521 : i32
      %parallel_loop3A_523 = arith.constant 8192 : i32
      %parallel_loop3A_524 = arith.select %parallel_loop3A_520, %parallel_loop3A_522, %parallel_loop3A_523 : i32
      %parallel_loop3A_525 = arith.index_cast %parallel_loop3A_524 : i32 to index
      %parallel_loop3A_526 = tpu.vector_load %arg8[%parallel_loop3A_525] {strides = array<i32>} : memref<8208xi32, #tpu.memory_space<vmem>>, vector<16xi32>,
      tpu.vector_store %arg8[%parallel_loop3A_525], %parallel_loop3A_519 {strides = array<i32>} : memref<8208xi32, #tpu.memory_space<vmem>>, vector<16xi32>,
      %parallel_loop3A_527 = arith.constant 16 : i32
      %parallel_loop3A_528 = arith.muli %parallel_loop3A_209, %parallel_loop3A_527 : i32
      %parallel_loop3A_529 = arith.constant 14 : i32
      %parallel_loop3A_530 = arith.addi %parallel_loop3A_528, %parallel_loop3A_529 : i32
      %parallel_loop3A_531 = arith.constant 0 : i32
      %parallel_loop3A_532 = vector.broadcast %parallel_loop3A_531 : i32 to vector<16xi32>
      %parallel_loop3A_533 = arith.muli %iota3A, %parallel_loop3A_532 : vector<16xi32>
      %parallel_loop3A_534 = vector.extract_strided_slice %parallel_loop3A_274 {offsets = [14], sizes = [1], strides = [1]} : vector<16xi32> to vector<1xi32>
      %parallel_loop3A_535 = vector.extract %parallel_loop3A_534[0] : i32 from vector<1xi32>
      %parallel_loop3A_536 = vector.broadcast %parallel_loop3A_535 : i32 to vector<16xi32>
      %parallel_loop3A_537 = arith.addi %parallel_loop3A_533, %parallel_loop3A_536 : vector<16xi32>
      %parallel_loop3A_538 = arith.cmpi slt, %parallel_loop3A_530, %min3A : i32
      %parallel_loop3A_539 = arith.constant 16 : i32
      %parallel_loop3A_540 = arith.muli %parallel_loop3A_530, %parallel_loop3A_539 : i32
      %parallel_loop3A_541 = arith.constant 8192 : i32
      %parallel_loop3A_542 = arith.select %parallel_loop3A_538, %parallel_loop3A_540, %parallel_loop3A_541 : i32
      %parallel_loop3A_543 = arith.index_cast %parallel_loop3A_542 : i32 to index
      %parallel_loop3A_544 = tpu.vector_load %arg8[%parallel_loop3A_543] {strides = array<i32>} : memref<8208xi32, #tpu.memory_space<vmem>>, vector<16xi32>,
      tpu.vector_store %arg8[%parallel_loop3A_543], %parallel_loop3A_537 {strides = array<i32>} : memref<8208xi32, #tpu.memory_space<vmem>>, vector<16xi32>,
      %parallel_loop3A_545 = arith.constant 16 : i32
      %parallel_loop3A_546 = arith.muli %parallel_loop3A_209, %parallel_loop3A_545 : i32
      %parallel_loop3A_547 = arith.constant 15 : i32
      %parallel_loop3A_548 = arith.addi %parallel_loop3A_546, %parallel_loop3A_547 : i32
      %parallel_loop3A_549 = arith.constant 0 : i32
      %parallel_loop3A_550 = vector.broadcast %parallel_loop3A_549 : i32 to vector<16xi32>
      %parallel_loop3A_551 = arith.muli %iota3A, %parallel_loop3A_550 : vector<16xi32>
      %parallel_loop3A_552 = vector.extract_strided_slice %parallel_loop3A_274 {offsets = [15], sizes = [1], strides = [1]} : vector<16xi32> to vector<1xi32>
      %parallel_loop3A_553 = vector.extract %parallel_loop3A_552[0] : i32 from vector<1xi32>
      %parallel_loop3A_554 = vector.broadcast %parallel_loop3A_553 : i32 to vector<16xi32>
      %parallel_loop3A_555 = arith.addi %parallel_loop3A_551, %parallel_loop3A_554 : vector<16xi32>
      %parallel_loop3A_556 = arith.cmpi slt, %parallel_loop3A_548, %min3A : i32
      %parallel_loop3A_557 = arith.constant 16 : i32
      %parallel_loop3A_558 = arith.muli %parallel_loop3A_548, %parallel_loop3A_557 : i32
      %parallel_loop3A_559 = arith.constant 8192 : i32
      %parallel_loop3A_560 = arith.select %parallel_loop3A_556, %parallel_loop3A_558, %parallel_loop3A_559 : i32
      %parallel_loop3A_561 = arith.index_cast %parallel_loop3A_560 : i32 to index
      %parallel_loop3A_562 = tpu.vector_load %arg8[%parallel_loop3A_561] {strides = array<i32>} : memref<8208xi32, #tpu.memory_space<vmem>>, vector<16xi32>,
      tpu.vector_store %arg8[%parallel_loop3A_561], %parallel_loop3A_555 {strides = array<i32>} : memref<8208xi32, #tpu.memory_space<vmem>>, vector<16xi32>,
    } {sc.loop_unroll_factor = 2 : i64, sc.parallel_access}
    %while3A = arith.constant 0 : i32
    %while3A_200 = arith.constant 0 : i32
    %while3A_201 = arith.subi %reduce_max3A_186, %while3A_200 : i32
    %while3A_202 = arith.addi %while3A_200, %while3A_201 : i32
    %while3A_203 = arith.constant 1 : i32
    %while3A_204 = arith.divsi %while3A_201, %while3A_203 : i32
    %while3A_205 = arith.muli %while3A_204, %while3A_203 : i32
    %while3A_206 = arith.addi %while3A_200, %while3A_205 : i32
    %while3A_207 = arith.constant 1 : i32
    scf.for %while3A_209 = %while3A_200 to %while3A_206 step %while3A_207  : i32 {
      %mul3A_210 = arith.constant 0 : i32
      %mul3A_211 = vector.broadcast %mul3A_210 : i32 to vector<16xi32>
      %mul3A_212 = arith.muli %iota3A, %mul3A_211 : vector<16xi32>
      %add3A_213 = vector.broadcast %while3A_209 : i32 to vector<16xi32>
      %add3A_214 = arith.addi %mul3A_212, %add3A_213 : vector<16xi32>
      %gather3A_215 = tpu.vector_load_idx %arg7[%add3A_214] : memref<128xi32, #tpu.memory_space<vmem>>[vector<16xi32>], vector<16xi32>,
      %mul3A_216 = arith.constant 16 : i32
      %mul3A_217 = vector.broadcast %mul3A_216 : i32 to vector<16xi32>
      %mul3A_218 = arith.muli %gather3A_215, %mul3A_217 : vector<16xi32>
      %add3A_219 = vector.broadcast %mul3A_2 : i32 to vector<16xi32>
      %add3A_220 = arith.addi %add3A_219, %mul3A_218 : vector<16xi32>
      %add3A_221 = arith.addi %add3A_220, %iota3A : vector<16xi32>
      %broadcast_in_dim3A_222 = arith.constant 0 : i32
      %broadcast_in_dim3A_223 = vector.broadcast %broadcast_in_dim3A_222 : i32 to vector<16xi32>
      %add3A_224 = arith.constant 31 : i32
      %add3A_225 = vector.broadcast %add3A_224 : i32 to vector<16xi32>
      %add3A_226 = arith.addi %broadcast_in_dim3A_223, %add3A_225 : vector<16xi32>
      %gather3A_227 = tpu.vector_load_idx %arg6[%add3A_226] : memref<64xi32, #tpu.memory_space<vmem>>[vector<16xi32>], vector<16xi32>,
      %le3A = arith.cmpi sle, %gather3A_227, %add3A_221 : vector<16xi32>
      %add3A_228 = arith.constant 32 : i32
      %add3A_229 = vector.broadcast %add3A_228 : i32 to vector<16xi32>
      %add3A_230 = arith.addi %broadcast_in_dim3A_223, %add3A_229 : vector<16xi32>
      %select_n3A = arith.select %le3A, %add3A_230, %broadcast_in_dim3A_223 : vector<16xi1>, vector<16xi32>
      %add3A_231 = arith.constant 15 : i32
      %add3A_232 = vector.broadcast %add3A_231 : i32 to vector<16xi32>
      %add3A_233 = arith.addi %select_n3A, %add3A_232 : vector<16xi32>
      %gather3A_234 = tpu.vector_load_idx %arg6[%add3A_233] : memref<64xi32, #tpu.memory_space<vmem>>[vector<16xi32>], vector<16xi32>,
      %le3A_235 = arith.cmpi sle, %gather3A_234, %add3A_221 : vector<16xi32>
      %add3A_236 = arith.constant 16 : i32
      %add3A_237 = vector.broadcast %add3A_236 : i32 to vector<16xi32>
      %add3A_238 = arith.addi %select_n3A, %add3A_237 : vector<16xi32>
      %select_n3A_239 = arith.select %le3A_235, %add3A_238, %select_n3A : vector<16xi1>, vector<16xi32>
      %add3A_240 = arith.constant 7 : i32
      %add3A_241 = vector.broadcast %add3A_240 : i32 to vector<16xi32>
      %add3A_242 = arith.addi %select_n3A_239, %add3A_241 : vector<16xi32>
      %gather3A_243 = tpu.vector_load_idx %arg6[%add3A_242] : memref<64xi32, #tpu.memory_space<vmem>>[vector<16xi32>], vector<16xi32>,
      %le3A_244 = arith.cmpi sle, %gather3A_243, %add3A_221 : vector<16xi32>
      %add3A_245 = arith.constant 8 : i32
      %add3A_246 = vector.broadcast %add3A_245 : i32 to vector<16xi32>
      %add3A_247 = arith.addi %select_n3A_239, %add3A_246 : vector<16xi32>
      %select_n3A_248 = arith.select %le3A_244, %add3A_247, %select_n3A_239 : vector<16xi1>, vector<16xi32>
      %add3A_249 = arith.constant 3 : i32
      %add3A_250 = vector.broadcast %add3A_249 : i32 to vector<16xi32>
      %add3A_251 = arith.addi %select_n3A_248, %add3A_250 : vector<16xi32>
      %gather3A_252 = tpu.vector_load_idx %arg6[%add3A_251] : memref<64xi32, #tpu.memory_space<vmem>>[vector<16xi32>], vector<16xi32>,
      %le3A_253 = arith.cmpi sle, %gather3A_252, %add3A_221 : vector<16xi32>
      %add3A_254 = arith.constant 4 : i32
      %add3A_255 = vector.broadcast %add3A_254 : i32 to vector<16xi32>
      %add3A_256 = arith.addi %select_n3A_248, %add3A_255 : vector<16xi32>
      %select_n3A_257 = arith.select %le3A_253, %add3A_256, %select_n3A_248 : vector<16xi1>, vector<16xi32>
      %add3A_258 = arith.constant 1 : i32
      %add3A_259 = vector.broadcast %add3A_258 : i32 to vector<16xi32>
      %add3A_260 = arith.addi %select_n3A_257, %add3A_259 : vector<16xi32>
      %gather3A_261 = tpu.vector_load_idx %arg6[%add3A_260] : memref<64xi32, #tpu.memory_space<vmem>>[vector<16xi32>], vector<16xi32>,
      %le3A_262 = arith.cmpi sle, %gather3A_261, %add3A_221 : vector<16xi32>
      %add3A_263 = arith.constant 2 : i32
      %add3A_264 = vector.broadcast %add3A_263 : i32 to vector<16xi32>
      %add3A_265 = arith.addi %select_n3A_257, %add3A_264 : vector<16xi32>
      %select_n3A_266 = arith.select %le3A_262, %add3A_265, %select_n3A_257 : vector<16xi1>, vector<16xi32>
      %add3A_267 = arith.constant 0 : i32
      %add3A_268 = vector.broadcast %add3A_267 : i32 to vector<16xi32>
      %add3A_269 = arith.addi %select_n3A_266, %add3A_268 : vector<16xi32>
      %gather3A_270 = tpu.vector_load_idx %arg6[%add3A_269] : memref<64xi32, #tpu.memory_space<vmem>>[vector<16xi32>], vector<16xi32>,
      %le3A_271 = arith.cmpi sle, %gather3A_270, %add3A_221 : vector<16xi32>
      %add3A_272 = arith.constant 1 : i32
      %add3A_273 = vector.broadcast %add3A_272 : i32 to vector<16xi32>
      %add3A_274 = arith.addi %select_n3A_266, %add3A_273 : vector<16xi32>
      %select_n3A_275 = arith.select %le3A_271, %add3A_274, %select_n3A_266 : vector<16xi1>, vector<16xi32>
      %lt3A_276 = vector.broadcast %add3A_39 : i32 to vector<16xi32>
      %lt3A_277 = arith.cmpi slt, %add3A_221, %lt3A_276 : vector<16xi32>
      %select_n3A_278 = arith.select %lt3A_277, %select_n3A_275, %gather3A : vector<16xi1>, vector<16xi32>
      %mul3A_279 = arith.constant 16 : i32
      %mul3A_280 = vector.broadcast %mul3A_279 : i32 to vector<16xi32>
      %mul3A_281 = arith.muli %gather3A_215, %mul3A_280 : vector<16xi32>
      %add3A_282 = arith.addi %mul3A_281, %iota3A : vector<16xi32>
      tpu.vector_store_idx %arg8[%add3A_282], %select_n3A_278 : memref<8208xi32, #tpu.memory_space<vmem>>[vector<16xi32>], vector<16xi32>,
    }
    %while3A_208 = arith.constant 1 : i32
    scf.for %while3A_209 = %while3A_206 to %while3A_202 step %while3A_208  : i32 {
      %mul3A_210 = arith.constant 0 : i32
      %mul3A_211 = vector.broadcast %mul3A_210 : i32 to vector<16xi32>
      %mul3A_212 = arith.muli %iota3A, %mul3A_211 : vector<16xi32>
      %add3A_213 = vector.broadcast %while3A_209 : i32 to vector<16xi32>
      %add3A_214 = arith.addi %mul3A_212, %add3A_213 : vector<16xi32>
      %gather3A_215 = tpu.vector_load_idx %arg7[%add3A_214] : memref<128xi32, #tpu.memory_space<vmem>>[vector<16xi32>], vector<16xi32>,
      %mul3A_216 = arith.constant 16 : i32
      %mul3A_217 = vector.broadcast %mul3A_216 : i32 to vector<16xi32>
      %mul3A_218 = arith.muli %gather3A_215, %mul3A_217 : vector<16xi32>
      %add3A_219 = vector.broadcast %mul3A_2 : i32 to vector<16xi32>
      %add3A_220 = arith.addi %add3A_219, %mul3A_218 : vector<16xi32>
      %add3A_221 = arith.addi %add3A_220, %iota3A : vector<16xi32>
      %broadcast_in_dim3A_222 = arith.constant 0 : i32
      %broadcast_in_dim3A_223 = vector.broadcast %broadcast_in_dim3A_222 : i32 to vector<16xi32>
      %add3A_224 = arith.constant 31 : i32
      %add3A_225 = vector.broadcast %add3A_224 : i32 to vector<16xi32>
      %add3A_226 = arith.addi %broadcast_in_dim3A_223, %add3A_225 : vector<16xi32>
      %gather3A_227 = tpu.vector_load_idx %arg6[%add3A_226] : memref<64xi32, #tpu.memory_space<vmem>>[vector<16xi32>], vector<16xi32>,
      %le3A = arith.cmpi sle, %gather3A_227, %add3A_221 : vector<16xi32>
      %add3A_228 = arith.constant 32 : i32
      %add3A_229 = vector.broadcast %add3A_228 : i32 to vector<16xi32>
      %add3A_230 = arith.addi %broadcast_in_dim3A_223, %add3A_229 : vector<16xi32>
      %select_n3A = arith.select %le3A, %add3A_230, %broadcast_in_dim3A_223 : vector<16xi1>, vector<16xi32>
      %add3A_231 = arith.constant 15 : i32
      %add3A_232 = vector.broadcast %add3A_231 : i32 to vector<16xi32>
      %add3A_233 = arith.addi %select_n3A, %add3A_232 : vector<16xi32>
      %gather3A_234 = tpu.vector_load_idx %arg6[%add3A_233] : memref<64xi32, #tpu.memory_space<vmem>>[vector<16xi32>], vector<16xi32>,
      %le3A_235 = arith.cmpi sle, %gather3A_234, %add3A_221 : vector<16xi32>
      %add3A_236 = arith.constant 16 : i32
      %add3A_237 = vector.broadcast %add3A_236 : i32 to vector<16xi32>
      %add3A_238 = arith.addi %select_n3A, %add3A_237 : vector<16xi32>
      %select_n3A_239 = arith.select %le3A_235, %add3A_238, %select_n3A : vector<16xi1>, vector<16xi32>
      %add3A_240 = arith.constant 7 : i32
      %add3A_241 = vector.broadcast %add3A_240 : i32 to vector<16xi32>
      %add3A_242 = arith.addi %select_n3A_239, %add3A_241 : vector<16xi32>
      %gather3A_243 = tpu.vector_load_idx %arg6[%add3A_242] : memref<64xi32, #tpu.memory_space<vmem>>[vector<16xi32>], vector<16xi32>,
      %le3A_244 = arith.cmpi sle, %gather3A_243, %add3A_221 : vector<16xi32>
      %add3A_245 = arith.constant 8 : i32
      %add3A_246 = vector.broadcast %add3A_245 : i32 to vector<16xi32>
      %add3A_247 = arith.addi %select_n3A_239, %add3A_246 : vector<16xi32>
      %select_n3A_248 = arith.select %le3A_244, %add3A_247, %select_n3A_239 : vector<16xi1>, vector<16xi32>
      %add3A_249 = arith.constant 3 : i32
      %add3A_250 = vector.broadcast %add3A_249 : i32 to vector<16xi32>
      %add3A_251 = arith.addi %select_n3A_248, %add3A_250 : vector<16xi32>
      %gather3A_252 = tpu.vector_load_idx %arg6[%add3A_251] : memref<64xi32, #tpu.memory_space<vmem>>[vector<16xi32>], vector<16xi32>,
      %le3A_253 = arith.cmpi sle, %gather3A_252, %add3A_221 : vector<16xi32>
      %add3A_254 = arith.constant 4 : i32
      %add3A_255 = vector.broadcast %add3A_254 : i32 to vector<16xi32>
      %add3A_256 = arith.addi %select_n3A_248, %add3A_255 : vector<16xi32>
      %select_n3A_257 = arith.select %le3A_253, %add3A_256, %select_n3A_248 : vector<16xi1>, vector<16xi32>
      %add3A_258 = arith.constant 1 : i32
      %add3A_259 = vector.broadcast %add3A_258 : i32 to vector<16xi32>
      %add3A_260 = arith.addi %select_n3A_257, %add3A_259 : vector<16xi32>
      %gather3A_261 = tpu.vector_load_idx %arg6[%add3A_260] : memref<64xi32, #tpu.memory_space<vmem>>[vector<16xi32>], vector<16xi32>,
      %le3A_262 = arith.cmpi sle, %gather3A_261, %add3A_221 : vector<16xi32>
      %add3A_263 = arith.constant 2 : i32
      %add3A_264 = vector.broadcast %add3A_263 : i32 to vector<16xi32>
      %add3A_265 = arith.addi %select_n3A_257, %add3A_264 : vector<16xi32>
      %select_n3A_266 = arith.select %le3A_262, %add3A_265, %select_n3A_257 : vector<16xi1>, vector<16xi32>
      %add3A_267 = arith.constant 0 : i32
      %add3A_268 = vector.broadcast %add3A_267 : i32 to vector<16xi32>
      %add3A_269 = arith.addi %select_n3A_266, %add3A_268 : vector<16xi32>
      %gather3A_270 = tpu.vector_load_idx %arg6[%add3A_269] : memref<64xi32, #tpu.memory_space<vmem>>[vector<16xi32>], vector<16xi32>,
      %le3A_271 = arith.cmpi sle, %gather3A_270, %add3A_221 : vector<16xi32>
      %add3A_272 = arith.constant 1 : i32
      %add3A_273 = vector.broadcast %add3A_272 : i32 to vector<16xi32>
      %add3A_274 = arith.addi %select_n3A_266, %add3A_273 : vector<16xi32>
      %select_n3A_275 = arith.select %le3A_271, %add3A_274, %select_n3A_266 : vector<16xi1>, vector<16xi32>
      %lt3A_276 = vector.broadcast %add3A_39 : i32 to vector<16xi32>
      %lt3A_277 = arith.cmpi slt, %add3A_221, %lt3A_276 : vector<16xi32>
      %select_n3A_278 = arith.select %lt3A_277, %select_n3A_275, %gather3A : vector<16xi1>, vector<16xi32>
      %mul3A_279 = arith.constant 16 : i32
      %mul3A_280 = vector.broadcast %mul3A_279 : i32 to vector<16xi32>
      %mul3A_281 = arith.muli %gather3A_215, %mul3A_280 : vector<16xi32>
      %add3A_282 = arith.addi %mul3A_281, %iota3A : vector<16xi32>
      tpu.vector_store_idx %arg8[%add3A_282], %select_n3A_278 : memref<8208xi32, #tpu.memory_space<vmem>>[vector<16xi32>], vector<16xi32>,
    }
    "tpu.region"() ({
      %run_scoped3A = tpu.sem_alloc : memref<!tpu.dma_semaphore, #tpu.memory_space<semaphore_mem>>
      %dma_start3A = arith.constant 0 : i32
      %dma_start3A_209 = tpu.memref_slice %arg8[%dma_start3A] : memref<8208xi32, #tpu.memory_space<vmem>> -> memref<8192xi32, #tpu.memory_space<vmem>>
      %dma_start3A_210 = tpu.memref_slice %arg4[%mul3A_2] : memref<262144xi32, #tpu.memory_space<hbm>> -> memref<8192xi32, #tpu.memory_space<hbm>>
      %dma_start3A_211 = tpu.memref_slice %arg4[%mul3A_2] : memref<262144xi32, #tpu.memory_space<hbm>> -> memref<8192xi32, #tpu.memory_space<hbm>>
      %dma_start3A_212 = arith.constant 0 : i32
      %dma_start3A_213 = tpu.memref_slice %arg8[%dma_start3A_212] : memref<8208xi32, #tpu.memory_space<vmem>> -> memref<8192xi32, #tpu.memory_space<vmem>>
      tpu.enqueue_dma source(%dma_start3A_213 : memref<8192xi32, #tpu.memory_space<vmem>>) target(%dma_start3A_211 : memref<8192xi32, #tpu.memory_space<hbm>>) target_semaphore(%run_scoped3A : memref<!tpu.dma_semaphore, #tpu.memory_space<semaphore_mem>>)
      %dma_wait3A = arith.constant 0 : i32
      %dma_wait3A_214 = tpu.memref_slice %arg8[%dma_wait3A] : memref<8208xi32, #tpu.memory_space<vmem>> -> memref<8192xi32, #tpu.memory_space<vmem>>
      %dma_wait3A_215 = tpu.memref_slice %arg4[%mul3A_2] : memref<262144xi32, #tpu.memory_space<hbm>> -> memref<8192xi32, #tpu.memory_space<hbm>>
      %dma_wait3A_216 = tpu.memref_slice %arg4[%mul3A_2] : memref<262144xi32, #tpu.memory_space<hbm>> -> memref<8192xi32, #tpu.memory_space<hbm>>
      %dma_wait3A_217 = arith.constant 0 : i32
      %dma_wait3A_218 = tpu.memref_slice %arg8[%dma_wait3A_217] : memref<8208xi32, #tpu.memory_space<vmem>> -> memref<8192xi32, #tpu.memory_space<vmem>>
      tpu.wait_dma2 semaphore(%run_scoped3A : memref<!tpu.dma_semaphore, #tpu.memory_space<semaphore_mem>>) src(%dma_wait3A_218 : memref<8192xi32, #tpu.memory_space<vmem>>) dst(%dma_wait3A_216 : memref<8192xi32, #tpu.memory_space<hbm>>)
      tpu.yield
    }) : () -> ()
    return
  }
}

</mosaic_0001>

<sc_bundles>
// kernel: _run.3.cloned.1.call-start
scs
__scs_entry_jumppad:
0x0: {  	(pc) =	sbr.rel $0x88, $3  }
0x1: {  	(tag) =	ssettag $0x0;
	lr =	simm.s32 $0x1  }
0x2: {  	[smem:$0x3F9F] =	sst lr;
	_ =	strace $0xD0000000  }
0x3: {  	_ = 	snop  }
0x4: {  	_ = 	snop  }
0x5: {  	_ = 	snop  }
0x6: {  	_ = 	snop  }
0x7: {  	_ = 	snop  }
__scs_overlays_trampoline_lowered:
0x8: {  	[smem:$0x3FAE] =	sst s0  }
0x9: {  	[smem:$0x3FAF] =	sst s1  }
0xa: {  	[smem:$0x3FB0] =	sst s2  }
0xb: {  	[smem:$0x3FB1] =	sst s3  }
0xc: {  	[smem:$0x3FB2] =	sst s4  }
0xd: {  	[smem:$0x3FB3] =	sst s5  }
0xe: {  	[smem:$0x3FB4] =	sst s6  }
0xf: {  	[smem:$0x3FB5] =	sst s7  }
0x10: {  	[smem:$0x3FB6] =	sst s8  }
0x11: {  	[smem:$0x3FB7] =	sst s9;
	s0 =	simm.s32 @!p0 $0x0  }
0x12: {  	s1 =	sld [smem:$0x3F9D];
	s0 =	simm.s32 @p0 $0x1  }
0x13: {  	[smem:$0x3FB8] =	sst s0;
	s0 =	simm.s32 @!p1 $0x0  }
0x14: {  	s2 =	sld [smem:$0x3F9C];
	s0 =	simm.s32 @p1 $0x1  }
0x15: {  	[smem:$0x3FB9] =	sst s0;
	s0 =	simm.s32 @!p2 $0x0  }
0x16: {  	s3 =	sld [smem:$0x3FDB];
	s0 =	simm.s32 @p2 $0x1  }
0x17: {  	s4 =	simm.s32 $0x1BF5;
	[smem:$0x3FBB] =	sst s0  }
0x18: {  	s0 =	sld [smem:$0x3F9E];
	_ =	swait.ge [sflag:s4], $0x0  }
0x19: {  	s7 =	sld [smem:$0x3F9F]  }
0x1a: {  	s8 =	sadd.s32 $0xFFFFE003, lr  }
0x1b: {  	s9 =	sadd.s32 $0xFFFFFEF7, lr;
	s5 =	simm.s32 $0xFFFFFFFF;
	p2 =	slt.u32 s8, $0xFFFFF086  }
0x1c: {  	p1 =	slt.u32 s9, $0xF7A;
	s5 =	simm.s32 @!p2 $0x0  }
0x1d: {  	s5 =	simm.s32 @p1 $0x1;
	p0 =	seq.s32 s7, s2  }
0x1e: {  	s7 =	smul.u32 @!p0 $0xF7A, s2;
	p2 =	seq.s32 @!p0 s5, $0x0  }
0x1f: {  	s9 =	smul.u32 $0xF7A, s1;
	s8 =	simm.s32 @!p0 $0x1BF5;
	p2 =	por !p2, p0  }
0x20: {  	[sflag:s8] =	ssyncset.s32 @!p0 $0xFFFFF086;
	s6 =	sadd.s32 @!p0 s3, s7;
	s7 =	simm.s32 @!p0 $0x108  }
0x21: {  	s3 =	sadd.s32 s3, s9;
	s6 =	sadd.s32 @!p0 $0x88, s6;
	s7 =	simm.s32 @p2 $0x1082  }
0x22: {  	[simem:s7], [sflag:s8] =	dma.local @!p0 [hbm:s6], $0xF7A  }
0x23: {  	s9 =	sor.u32 $0xD0000000, s2;
	s6 =	simm.s32 $0x108;
	_ =	swait.ge @!p0 [sflag:s8], $0x0  }
0x24: {  	s3 =	sadd.s32 $0x88, s3;
	s6 =	simm.s32 @!p1 $0x1082;
	[sflag:s4] =	ssyncset.s32 $0xFFFFF086  }
0x25: {  	[simem:s6], [sflag:s4] =	dma.local [hbm:s3], $0xF7A  }
0x26: {  	[smem:$0x3F9F] =	sst s1;
	(tag) =	ssettag s2;
	_ =	strace s9  }
0x27: {  	s1 =	sld [smem:$0x3FAF]  }
0x28: {  	s2 =	sld [smem:$0x3FB0]  }
0x29: {  	s4 =	sld [smem:$0x3FB2]  }
0x2a: {  	p0 =	seq.s32 s5, $0x0;
	s5 =	sld [smem:$0x3FB3]  }
0x2b: {  	s6 =	sld [smem:$0x3FB4]  }
0x2c: {  	s7 =	sld [smem:$0x3FB5]  }
0x2d: {  	s3 =	simm.s32 $0x108;
	s8 =	sld [smem:$0x3FB6]  }
0x2e: {  	s3 =	simm.s32 @!p0 $0x1082;
	s9 =	sld [smem:$0x3FB7]  }
0x2f: {  	lr =	sadd.s32 s0, s3;
	s0 =	sld [smem:$0x3FAE]  }
0x30: {  	s3 =	sld [smem:$0x3FB1]  }
0x31: {  	[smem:$0x3FBA] =	sst s10  }
0x32: {  	s10 =	sld [smem:$0x3FB8];
	_ =	sdelay $0x3  }
0x33: {  	p0 =	seq.s32 s10, $0x1;
	s10 =	sld [smem:$0x3FBA];
	_ =	sdelay $0x3  }
0x34: {  	[smem:$0x3FBA] =	sst s10  }
0x35: {  	s10 =	sld [smem:$0x3FB9];
	_ =	sdelay $0x3  }
0x36: {  	p1 =	seq.s32 s10, $0x1;
	s10 =	sld [smem:$0x3FBA];
	_ =	sdelay $0x3  }
0x37: {  	[smem:$0x3FBA] =	sst s10  }
0x38: {  	s10 =	sld [smem:$0x3FBB]  }
0x39: {  	_ = 	snop;
	(pc) =	sbr.ind lr, $3  }
0x3a: {  	_ = 	snop  }
0x3b: {  	_ = 	snop  }
0x3c: {  	p2 =	seq.s32 s10, $0x1;
	s10 =	sld [smem:$0x3FBA]  }
0x3d: {  	_ =	shalt  }
0x3e: {  	_ =	shalt  }
0x3f: {  	_ =	shalt  }
0x40: {  	_ =	shalt  }
0x41: {  	_ =	shalt  }
0x42: {  	_ =	shalt  }
0x43: {  	_ =	shalt  }
0x44: {  	_ =	shalt  }
0x45: {  	_ =	shalt  }
0x46: {  	_ =	shalt  }
0x47: {  	_ =	shalt  }
0x48: {  	_ =	shalt  }
0x49: {  	_ =	shalt  }
0x4a: {  	_ =	shalt  }
0x4b: {  	_ =	shalt  }
0x4c: {  	_ =	shalt  }
0x4d: {  	_ =	shalt  }
0x4e: {  	_ =	shalt  }
0x4f: {  	_ =	shalt  }
0x50: {  	_ =	shalt  }
0x51: {  	_ =	shalt  }
0x52: {  	_ =	shalt  }
0x53: {  	_ =	shalt  }
0x54: {  	_ =	shalt  }
0x55: {  	_ =	shalt  }
0x56: {  	_ =	shalt  }
0x57: {  	_ =	shalt  }
0x58: {  	_ =	shalt  }
0x59: {  	_ =	shalt  }
0x5a: {  	_ =	shalt  }
0x5b: {  	_ =	shalt  }
0x5c: {  	_ =	shalt  }
0x5d: {  	_ =	shalt  }
0x5e: {  	_ =	shalt  }
0x5f: {  	_ =	shalt  }
0x60: {  	_ =	shalt  }
0x61: {  	_ =	shalt  }
0x62: {  	_ =	shalt  }
0x63: {  	_ =	shalt  }
0x64: {  	_ =	shalt  }
0x65: {  	_ =	shalt  }
0x66: {  	_ =	shalt  }
0x67: {  	_ =	shalt  }
0x68: {  	_ =	shalt  }
0x69: {  	_ =	shalt  }
0x6a: {  	_ =	shalt  }
0x6b: {  	_ =	shalt  }
0x6c: {  	_ =	shalt  }
0x6d: {  	_ =	shalt  }
0x6e: {  	_ =	shalt  }
0x6f: {  	_ =	shalt  }
0x70: {  	_ =	shalt  }
0x71: {  	_ =	shalt  }
0x72: {  	_ =	shalt  }
0x73: {  	_ =	shalt  }
0x74: {  	_ =	shalt  }
0x75: {  	_ =	shalt  }
0x76: {  	_ =	shalt  }
0x77: {  	_ =	shalt  }
0x78: {  	_ =	shalt  }
0x79: {  	_ =	shalt  }
0x7a: {  	_ =	shalt  }
0x7b: {  	_ =	shalt  }
0x7c: {  	_ =	shalt  }
0x7d: {  	_ =	shalt  }
0x7e: {  	_ =	shalt  }
0x7f: {  	_ =	shalt  }
0x80: {  	_ =	shalt  }
0x81: {  	_ =	shalt  }
0x82: {  	_ =	shalt  }
0x83: {  	_ =	shalt  }
0x84: {  	_ =	shalt  }
0x85: {  	_ =	shalt  }
0x86: {  	_ =	shalt  }
0x87: {  	_ =	shalt  }
.Lfunc_end0:
.L_simem_size_0:
called_computation_lowered:
.L_overlay_start_0:
0x88: {  	s2 =	sld [smem:$0x3FD9]  }
0x89: {  	s3 =	sld [smem:$0x3FFE];
	_ =	sdelay $0x1  }
0x8a: {  	s1 =	srdreg.scid  }
0x8b: {  	s0 =	sand.u32 $0x1, s1  }
0x8c: {  	s18 =	sshll.u32 s0, $0xA;
	s2 =	sadd.s32 s3, s2  }
0x8d: {  	s2 =	sadd.s32 s2, s18  }
0x8e: {  	[smem:$0x3FC6] =	sst s2  }
0x8f: {  	_ = 	snop  }
0x90: {  	s2 =	sld [smem:$0x3FC9]  }
0x91: {  	s19 =	sld [smem:$0x3FC8]  }
0x92: {  	s4 =	sld [smem:$0x3FD0];
	(tm) =	ssettm $0x1  }
0x93: {  	s5 =	sld [smem:$0x3FFB];
	_ =	sdelay $0x3  }
0x94: {  	_ =	strace s5  }
0x95: {  	s5 =	sld [smem:$0x3FFC];
	_ =	sdelay $0x3  }
0x96: {  	_ =	strace s5  }
0x97: {  	s5 =	sld [smem:$0x3FFD];
	_ =	sdelay $0x3  }
0x98: {  	_ =	strace s5  }
0x99: {  	_ =	strace $0x8FFFFFFF  }
0x9a: {  	s20 =	sld [smem:$0x3FDB];
	_ =	sdelay $0x1  }
0x9b: {  	s6 =	simm.s32 $_scs_section_size  }
0x9c: {  	s7 =	simm.s32 $_size__tile_overlayer_lowered;
	s8 =	simm.s32 $_tile_overlayer_lowered  }
0x9d: {  	s23 =	simm.s32 $0x1BFF;
	s22 =	sshll.u32 s8, $0x1;
	s5 =	sadd.s32 s6, s20  }
0x9e: {  	s9 =	simm.s32 $0x0;
	s21 =	sshll.u32 s7, $0x1;
	s7 =	sadd.s32 s22, s5  }
0x9f: {  	[timem:s9], [sflag:s23] =	dma.local [hbm:s7], s21  }
0xa0: {  	_ =	swait.ge [sflag:s23], s21  }
0xa1: {  	s6 =	ssub.s32 $0x0, s21;
	[sflag:s23] =	ssyncset.done $0x0  }
0xa2: {  	[sflag:s23] =	ssyncadd.s32 s6;
	_ =	sdelay $0x1  }
0xa3: {  	s24 =	simm.s32 $0x1B8B  }
0xa4: {  	_ =	swait.ge [sflag:s24], $0x1  }
0xa5: {  	[sflag:s24] =	ssyncset.done $0x0  }
0xa6: {  	s25 =	simm.s32 $0x1B8E;
	[sflag:s24] =	ssyncadd.s32 $0xFFFFFFFF  }
0xa7: {  	s26 =	simm.s32 $execute0_lowered;
	[smem:$0x3FD2] =	sst s25  }
0xa8: {  	s6 =	sshll.u32 s26, $0x1;
	_ =	strace $0x80000046;
	[dreg:$0x1] =	wrdreg $0xFFFFFFFF  }
0xa9: {  	s28 =	simm.s32 $_size_execute0_lowered;
	s5 =	sadd.s32 s5, s6;
	[dreg:$0x0] =	wrdreg $0x0  }
0xaa: {  	s6 =	sshll.u32 s28, $0x1;
	[dreg:$0x2] =	wrdreg s5  }
0xab: {  	[dreg:$0x3] =	wrdreg s6  }
0xac: {  	[dreg:$0x4] =	wrdreg $0xC0  }
0xad: {  	_ =	task [dreg:s9], $0x5FFFF  }
0xae: {  	[dreg:$0x1] =	wrdreg $0xFFFFFFFF  }
0xaf: {  	[dreg:$0x0] =	wrdreg $0x60  }
0xb0: {  	[dreg:$0x2] =	wrdreg s2  }
0xb1: {  	[dreg:$0x3] =	wrdreg s19  }
0xb2: {  	[dreg:$0x4] =	wrdreg s4  }
0xb3: {  	[dreg:$0x5] =	wrdreg $0x9  }
0xb4: {  	_ =	task.clear_ibuf [dreg:s9], $0x6FFFF;
	_ =	strace $0x90000046  }
0xb5: {  	s29 =	simm.s32 $0x9;
	_ =	strace $0x80000048  }
0xb6: {  	_ =	swait.ge [sflag:s29], $0x1  }
0xb7: {  	[sflag:s29] =	ssyncadd.s32 $0xFFFFFFFF  }
0xb8: {  	_ =	strace $0x90000048  }
0xb9: {  	_ =	sfence  }
0xba: {  	s30 =	sld [smem:$0x0];
	_ =	sdelay $0x2  }
0xbb: {  	s31 =	sshll.u32 s1, $0xD;
	s1 =	sshrl.u32 s1, $0x2  }
0xbc: {  	s3 =	sand.u32 $0x4000, s31;
	s1 =	sadd.s32 s1, s30  }
0xbd: {  	s0 =	sor.u32 s3, s0;
	s1 =	sshll.u32 s1, $0x11  }
0xbe: {  	s0 =	sor.u32 s1, s0  }
0xbf: {  	s0 =	sadd.s32 $0x8F2B, s0  }
0xc0: {  	[sflag:s0] =	ssyncadd.remote.s32 $0x1  }
0xc1: {  	_ =	sfence.sel $0xFFFF  }
0xc2: {  	[dreg:$0x0] =	wrdreg $0xFFFFFFFF;
	(pc) =	sbr.abs _section_cstart, $3  }
0xc3: {  	[dreg:$0x1] =	wrdreg $0xFFFFFFFF  }
0xc4: {  	_ =	task.clear_ibuf [dreg:s9], $0x2FFFF;
	_ =	strace $0x9FFFFFFF  }
0xc5: {  	(tm) =	ssettm $0x7FFFFFFF  }
tec
execute0_lowered:
.L_overlay_start_1:
0x0: {  	(tag) =	ssettag $0x1  }
0x1: {  	s0 =	rddreg [dreg:$0x1]  }
0x2: {  	s1 =	rddreg [dreg:$0x2];
	s2 =	srdreg.scid  }
0x3: {  	s6 =	simm.s32 $0x0;
	s4 =	stileid.u32;
	s2 =	sand.u32 $0x1, s2  }
0x4: {  	s4 =	sshll.u32 s4, $0xE;
	s3 =	ssub.s32 $0x2, s2;
	s2 =	sshll.u32 s2, $0xD  }
0x5: {  	s10 =	simm.s32 $0x100;
	[smem:$0x7FF] =	sst s6;
	s4 =	sor.u32 s2, s4  }
0x6: {  	s11 =	simm.s32 $0x180;
	_ =	strace $0x80000047;
	s28 =	sshrl.u32 s4, $0x3  }
.Ltmp0:
0x7: {  	s29 =	sadd.s32 $0x2000, s4;
	[dreg:$0x4] =	wrdreg s4;
	(pc) =	sbr.rel .LBB2_1-.Ltmp0, $4  }
0x8: {  	s5 =	sshrl.u32 s3, $0x1;
	[dreg:$0x5] =	wrdreg s29;
	s0 =	sadd.s32 s0, s28  }
0x9: {  	v0 =	vlaneseq.u32;
	s26 =	ssub.s32 s3, s5;
	s30 =	sadd.s32 s1, s28;
	[dreg:$0x6] =	wrdreg s0  }
0xa: {  	v3 =	vimm.s32 $0x0;
	v5 =	vimm.s32 $0x1F;
	s12 =	simm.s32 $0x80;
	v6 =	vimm.s32 $0x20;
	s31 =	smax.u32 s26, $0x1;
	[dreg:$0x7] =	wrdreg s30  }
0xb: {  	s13 =	simm.s32 $0x0;
	v4 =	vmul.u32 $0x10, v0;
	v1 =	vmov s4;
	v2 =	vor.u32 s4, v0;
	s1 =	simm.s32 $0x2;
	[dreg:$0x8] =	wrdreg s31  }
.LBB2_6:
0xc: {  	s0 =	rddreg [dreg:$0x7]  }
0xd: {  	[hbm4b:s0+s6] =	stream.linear.scatter [tilespmem:s11], [sflag:$0x2], $0x2000, $0x38;
	[tilespmem:$0x2200] =	vst v63  }
0xe: {  	_ =	swait.ge [sflag:s1], $0x2000  }
0xf: {  	s13 =	sadd.s32 $0x1, s13;
	s31 =	rddreg [dreg:$0x8]  }
0x10: {  	p0 =	sne.s32 s13, s31  }
.Ltmp1:
0x11: {  	_ = 	snop;
	(pc) =	sbr.rel @!p0 .LBB2_7-.Ltmp1, $3  }
0x12: {  	_ =	sdelay $0x1  }
0x13: {  	[sflag:s1] =	ssyncset.done $0x0  }
0x14: {  	[sflag:s1] =	ssyncadd.s32 $0xFFFFE000  }
.LBB2_1:
0x15: {  	s0 =	rddreg [dreg:$0x0]  }
0x16: {  	[tilespmem:s6], [sflag:$0x2] =	stream.linear.gather [hbm4b:s0+s6], $0x80, $0x38;
	[tilespmem:$0x2200] =	vst v63  }
0x17: {  	_ =	swait.ge [sflag:s1], $0x80  }
0x18: {  	[sflag:s1] =	ssyncset.done $0x0  }
0x19: {  	[sflag:s1] =	ssyncadd.s32 $0xFFFFFF80  }
0x1a: {  	v7 =	vld [tilespmem:$0x0]  }
0x1b: {  	v8 =	vld [tilespmem:$0x10]  }
0x1c: {  	v9 =	vld [tilespmem:$0x20];
	_ =	sdelay $0x2  }
0x1d: {  	(xrf0) =	vadd.scan.msk.s32 $0xffff, v7  }
0x1e: {  	(xrf0) =	vadd.scan.msk.s32 $0xffff, v8  }
0x1f: {  	(xrf0) =	vadd.scan.msk.s32 $0xffff, v9;
	_ =	sdelay $0x3  }
0x20: {  	v7, _, _ =	vpop (xrf0)  }
0x21: {  	v8, _, _ =	vpop (xrf0);
	(v2sf) =	vpush v7, $0xF  }
0x22: {  	v9, _, _ =	vpop (xrf0);
	(v2sf) =	vpush v8, $0xF  }
0x23: {  	(v2sf) =	vpush v9, $0xF;
	_ =	sdelay $0x3  }
0x24: {  	v10 =	vld [tilespmem:$0x30];
	_ =	sdelay $0x4  }
0x25: {  	(xrf0) =	vadd.scan.msk.s32 $0xffff, v10  }
0x26: {  	v10 =	vbroadcast v7, $0xF;
	_ =	sdelay $0x1  }
0x27: {  	v8 =	vadd.s32 v10, v8;
	v10 =	vsub.s32 v7, v1  }
0x28: {  	v13 =	vadd.s32 $0xFFFFFFFF, v10;
	s24 =	spop (v2sf)  }
0x29: {  	v15 =	vand.u32 $0xF, v8;
	vm0 =	vlt.u32 v13, $0x1FFF;
	v13 =	vand.u32 $0xF, v7;
	s25 =	spop (v2sf)  }
0x2a: {  	v11, _, _ =	vpop (xrf0);
	vm3 =	vne.s32 v15, $0x0;
	vm1 =	vne.s32 v13, $0x0;
	s0 =	sadd.s32 s24, s25;
	s26 =	spop (v2sf)  }
0x2b: {  	vm1 =	vmand vm1, vm0;
	(v2sf) =	vpush v11, $0xF;
	s1 =	sadd.s32 s26, s0;
	v9 =	vadd.s32 s0, v9  }
0x2c: {  	v12 =	vadd.s32 s1, v11;
	v11 =	vsub.s32 v8, v1;
	v13 =	vsub.s32 v9, v1  }
0x2d: {  	v14 =	vadd.s32 $0xFFFFFFFF, v11;
	v16 =	vadd.s32 $0xFFFFFFFF, v13;
	v17 =	vsub.s32 v12, v1  }
0x2e: {  	v18 =	vand.u32 $0xF, v12;
	vm2 =	vlt.u32 v14, $0x1FFF;
	v14 =	vmpcnt.ones.xlane vm1  }
0x2f: {  	vm9 =	vlt.u32 v16, $0x1FFF;
	v16 =	vand.u32 $0xF, v9;
	vm4 =	vne.s32 v18, $0x0  }
0x30: {  	vm8 =	vmand vm3, vm2;
	vm10 =	vne.s32 v16, $0x0;
	v16 =	vadd.s32 $0xFFFFFFFF, v17  }
0x31: {  	v15 =	vmpcnt.ones.xlane vm8;
	vm2 =	vmand vm10, vm9;
	vm11 =	vlt.u32 v16, $0x1FFF  }
0x32: {  	v16 =	vsel vm1, $0x1, v3;
	v18 =	vmpcnt.ones.xlane vm2;
	vm3 =	vmand vm4, vm11  }
0x33: {  	(xrf0) =	vadd.scan.msk.s32 $0xffff, v16;
	v16 =	vsel vm8, $0x1, v3;
	v15 =	vadd.s32 v14, v15;
	v19 =	vmpcnt.ones.xlane vm3  }
0x34: {  	(xrf0) =	vadd.scan.msk.s32 $0xffff, v16;
	v16 =	vsel vm2, $0x1, v3;
	v18 =	vadd.s32 v15, v18  }
0x35: {  	(xrf0) =	vadd.scan.msk.s32 $0xffff, v16;
	v16 =	vsel vm3, $0x1, v3;
	v19 =	vadd.s32 v18, v19  }
0x36: {  	(xrf0) =	vadd.scan.msk.s32 $0xffff, v16;
	v16 =	vxor.u32 $0x80000000, v19  }
0x37: {  	(xrf0) =	vmax.scan.msk.u32 $0xffff, v16;
	_ =	sdelay $0x1  }
0x38: {  	v16, _, _ =	vpop (xrf0)  }
0x39: {  	v19, _, _ =	vpop (xrf0)  }
0x3a: {  	v20, _, _ =	vpop (xrf0)  }
0x3b: {  	v21, _, _ =	vpop (xrf0)  }
0x3c: {  	v22, _, _ =	vpop (xrf0)  }
0x3d: {  	(v2sf) =	vpush v22, $0xF;
	_ =	sdelay $0x1  }
0x3e: {  	s2 =	spop (v2sf)  }
0x3f: {  	s3 =	rddreg [dreg:$0x4];
	s14 =	sadd.s32 s2, s1  }
0x40: {  	s4 =	rddreg [dreg:$0x5];
	s0 =	ssub.s32 s14, s3;
	v16 =	vadd.s32 $0xFFFFFFFF, v16  }
0x41: {  	p0 =	sge.s32 s14, s4;
	s3 =	rddreg [dreg:$0x6];
	v14 =	vadd.s32 v14, v19;
	s0 =	sadd.s32 $0xF, s0;
	vm12 =	vgt.s32 v16, $0x0  }
0x42: {  	s1 =	simm.s32 @!p0 $0x0;
	s2 =	simm.s32 @!p0 $0x180;
	v15 =	vadd.s32 v15, v20;
	s0 =	sshra.s32 s0, $0x4;
	v14 =	vadd.s32 $0xFFFFFFFF, v14;
	v16 =	vnsel vm12, $0x0, v16  }
0x43: {  	[tilespmem:s2], [sflag:$0x1] =	stream.linear.gather @!p0 [hbm4b:s3+s1], $0x2000, $0x38;
	v18 =	vadd.s32 v18, v21;
	vm13 =	vgt.s32 v14, $0x0;
	v15 =	vadd.s32 $0xFFFFFFFF, v15;
	[tilespmem:$0x2200] =	vst v63  }
0x44: {  	[tilespmem:$0x80] =	vst v7;
	p1 =	sgt.s32 s0, $0x0;
	v7 =	vnsel vm13, $0x0, v14;
	vm14 =	vgt.s32 v15, $0x0;
	v14 =	vadd.s32 $0xFFFFFFFF, v18  }
0x45: {  	[tilespmem:$0x90] =	vst v8;
	s0 =	simm.s32 @!p1 $0x0;
	v8 =	vnsel vm14, $0x0, v15;
	vm15 =	vgt.s32 v14, $0x0  }
0x46: {  	[tilespmem:$0xA0] =	vst v9;
	s16 =	smin.u32 s0, $0x200;
	v14 =	vnsel vm15, $0x0, v14  }
0x47: {  	[tilespmem:$0xB0] =	vst v12;
	v9 =	vshra.s32 v10, $0x4;
	s0 =	smax.u32 s16, $0x1  }
0x48: {  	[tilespmem:v16+s10+$0x0] =	vst.idx.msk vm1, v9;
	v9 =	vshra.s32 v11, $0x4;
	s0 =	sshll.u32 s0, $0x4  }
0x49: {  	s0 =	sadd.s32 $0xFFFFFFF0, s0;
	[tilespmem:v7+s10+$0x0] =	vst.idx.msk vm8, v9;
	v7 =	vshra.s32 v13, $0x4  }
0x4a: {  	[tilespmem:v8+s10+$0x0] =	vst.idx.msk vm2, v7;
	v7 =	vshra.s32 v17, $0x4;
	v8 =	vor.u32 s0, v0  }
0x4b: {  	s1 =	simm.s32 @!p0 $0x1;
	[tilespmem:v14+s10+$0x0] =	vst.idx.msk vm3, v7;
	s5 =	spop (v2sf)  }
0x4c: {  	_ =	swait.ge @!p0 [sflag:s1], $0x2000  }
0x4d: {  	[sflag:s1] =	ssyncset.done @!p0 $0x0  }
0x4e: {  	[sflag:s1] =	ssyncadd.s32 @!p0 $0xFFFFE000  }
0x4f: {  	v7 =	vld.idx.msk [tilespmem:v8+s11+$0x0], $0xffff  }
0x50: {  	s6 =	simm.s32 $0x10;
	v8 =	vld.idx.msk [tilespmem:v5+s12+$0x0], $0xffff  }
0x51: {  	v9 =	vmov s6  }
0x52: {  	v9 =	vshll.u32 v9, $0x4  }
0x53: {  	v9 =	vor.u32 v4, v9  }
0x54: {  	v11 =	vadd.s32 v1, v9  }
0x55: {  	vm8 =	vgt.s32 v8, v11  }
0x56: {  	v9 =	vsel vm8, $0x0, v6  }
0x57: {  	v10 =	vor.u32 $0xF, v9;
	_ =	sdelay $0x1  }
0x58: {  	s7 =	simm.s32 $0x0  }
0x59: {  	v12 =	vmov s7  }
0x5a: {  	v12 =	vshll.u32 v12, $0x4  }
0x5b: {  	v12 =	vor.u32 v4, v12;
	v13 =	vld.idx.msk [tilespmem:v10+s12+$0x0], $0xffff  }
0x5c: {  	v10 =	vadd.s32 v1, v12  }
0x5d: {  	vm9 =	vgt.s32 v8, v10  }
0x5e: {  	v8 =	vsel vm9, $0x0, v6  }
0x5f: {  	v12 =	vor.u32 $0xF, v8  }
0x60: {  	vm10 =	vgt.s32 v13, v11;
	v13 =	vor.u32 $0x10, v9  }
0x61: {  	v9 =	vsel vm10, v9, v13  }
0x62: {  	v13 =	vor.u32 $0x7, v9;
	_ =	sdelay $0x1  }
0x63: {  	v12 =	vld.idx.msk [tilespmem:v12+s12+$0x0], $0xffff;
	_ =	sdelay $0x2  }
0x64: {  	v13 =	vld.idx.msk [tilespmem:v13+s12+$0x0], $0xffff;
	_ =	sdelay $0x1  }
0x65: {  	v14 =	vor.u32 $0x10, v8;
	vm11 =	vgt.s32 v12, v10  }
0x66: {  	v8 =	vsel vm11, v8, v14  }
0x67: {  	v12 =	vor.u32 $0x7, v8  }
0x68: {  	vm12 =	vgt.s32 v13, v11;
	v13 =	vor.u32 $0x8, v9  }
0x69: {  	v9 =	vsel vm12, v9, v13  }
0x6a: {  	v13 =	vor.u32 $0x3, v9;
	_ =	sdelay $0x1  }
0x6b: {  	v12 =	vld.idx.msk [tilespmem:v12+s12+$0x0], $0xffff;
	_ =	sdelay $0x2  }
0x6c: {  	v13 =	vld.idx.msk [tilespmem:v13+s12+$0x0], $0xffff;
	_ =	sdelay $0x1  }
0x6d: {  	v14 =	vor.u32 $0x8, v8;
	vm13 =	vgt.s32 v12, v10  }
0x6e: {  	v8 =	vsel vm13, v8, v14  }
0x6f: {  	v12 =	vor.u32 $0x3, v8  }
0x70: {  	p0 =	sgt.u32 s16, $0x4;
	vm14 =	vgt.s32 v13, v11;
	v13 =	vor.u32 $0x4, v9  }
0x71: {  	s0 =	simm.s32 @!p0 $0x0;
	v13 =	vsel vm14, v9, v13  }
0x72: {  	s0 =	simm.s32 @p0 $0x1;
	v9 =	vadd.s32 $0x1, v13  }
0x73: {  	[smem:$0x7EE] =	sst s0  }
0x74: {  	v12 =	vld.idx.msk [tilespmem:v12+s12+$0x0], $0xffff;
	_ =	sdelay $0x1  }
0x75: {  	v14 =	vld.idx.msk [tilespmem:v5+s12+$0x0], $0xffff  }
0x76: {  	s8 =	simm.s32 $0x20;
	s18 =	simm.s32 $0x30;
	v15 =	vld.idx.msk [tilespmem:v9+s12+$0x0], $0xffff  }
0x77: {  	v16 =	vmov s8;
	v17 =	vmov s18;
	v9 =	vor.u32 $0x4, v8  }
0x78: {  	vm15 =	vgt.s32 v12, v10;
	v12 =	vshll.u32 v16, $0x4;
	v16 =	vshll.u32 v17, $0x4  }
0x79: {  	v17 =	vsel vm15, v8, v9;
	v8 =	vor.u32 v4, v12;
	v9 =	vor.u32 v4, v16  }
0x7a: {  	v12 =	vadd.s32 $0x1, v17;
	v8 =	vadd.s32 v1, v8;
	v9 =	vadd.s32 v1, v9  }
0x7b: {  	s30 =	simm.s32 $0x110;
	vm4 =	vgt.s32 v14, v9;
	vm5 =	vgt.s32 v15, v11;
	v15 =	vadd.s32 $0x2, v13  }
0x7c: {  	s23 =	simm.s32 $0x130;
	s29 =	simm.s32 $0x140;
	s28 =	simm.s32 $0x150;
	vm6 =	vgt.s32 v14, v8;
	v14 =	vsel vm4, $0x0, v6;
	v13 =	vsel vm5, v13, v15  }
0x7d: {  	s17 =	simm.s32 $0x160;
	s22 =	simm.s32 $0x1A0;
	s21 =	simm.s32 $0x1B0;
	v15 =	vsel vm6, $0x0, v6;
	v16 =	vor.u32 $0xF, v14  }
0x7e: {  	s20 =	simm.s32 $0x1C0;
	s19 =	simm.s32 $0x1D0;
	s31 =	simm.s32 $0x90;
	v18 =	vor.u32 $0xF, v15  }
0x7f: {  	s25 =	simm.s32 $0x180;
	s24 =	simm.s32 $0x190;
	s26 =	simm.s32 $0x170  }
0x80: {  	s4 =	simm.s32 $0x120;
	s3 =	simm.s32 $0x100;
	s2 =	simm.s32 $0x10;
	v12 =	vld.idx.msk [tilespmem:v12+s12+$0x0], $0xffff  }
0x81: {  	s7 =	simm.s32 $0x20;
	p4 =	sgt.u32 s16, $0x0;
	p3 =	sgt.u32 s16, $0x1;
	v19 =	vld.idx.msk [tilespmem:v13+s12+$0x0], $0xffff  }
0x82: {  	p2 =	sgt.u32 s16, $0x2;
	p1 =	sgt.u32 s16, $0x3;
	p5 =	sgt.u32 s16, $0x13;
	v16 =	vld.idx.msk [tilespmem:v16+s12+$0x0], $0xffff  }
0x83: {  	p6 =	sgt.u32 s16, $0x5;
	s23 =	simm.s32 @!p5 $0x2000;
	p5 =	sgt.u32 s16, $0x16;
	v18 =	vld.idx.msk [tilespmem:v18+s12+$0x0], $0xffff  }
0x84: {  	p4 =	por p4, p4;
	p3 =	por p3, p3;
	p2 =	por p2, p2  }
0x85: {  	p1 =	por p1, p1;
	s17 =	simm.s32 @!p5 $0x2000;
	p5 =	sgt.u32 s16, $0x19  }
0x86: {  	s2 =	simm.s32 @!p3 $0x2000;
	s7 =	simm.s32 @!p2 $0x2000;
	p2 =	sgt.u32 s16, $0x9;
	vm8 =	vle.s32 v19, v11  }
0x87: {  	p3 =	sgt.u32 s16, $0xA;
	s24 =	simm.s32 @!p5 $0x2000;
	p5 =	sgt.u32 s16, $0x1C;
	vm7 =	vgt.s32 v12, v10;
	vm9 =	vgt.s32 v16, v9;
	v16 =	vsel vm8, $0x1, v3  }
0x88: {  	s8 =	simm.s32 @!p2 $0x0;
	p3 =	por p3, p3;
	s20 =	simm.s32 @!p5 $0x2000;
	v12 =	vor.u32 $0x10, v15;
	vm10 =	vgt.s32 v18, v8;
	v13 =	vadd.s32 v16, v13  }
0x89: {  	p5 =	sgt.u32 s16, $0x8;
	s8 =	simm.s32 @p2 $0x1;
	p0 =	sgt.u32 s16, $0x10;
	v12 =	vsel vm10, v15, v12;
	v15 =	vbroadcast v13, $0x0  }
0x8a: {  	s3 =	simm.s32 @!p0 $0x2000;
	p0 =	sgt.u32 s16, $0x11;
	[smem:$0x7EF] =	sst s8;
	v16 =	vor.u32 $0x7, v12;
	v18 =	vbroadcast v13, $0x1  }
0x8b: {  	s30 =	simm.s32 @!p0 $0x2000;
	p0 =	sgt.u32 s16, $0x12;
	s9 =	sld [smem:$0x7EE];
	[tilespmem:s3+$0x180] =	vst v15;
	v15 =	vbroadcast v13, $0x2  }
0x8c: {  	s1 =	simm.s32 $0x30;
	s4 =	simm.s32 @!p0 $0x2000;
	p0 =	sgt.u32 s16, $0x14;
	[tilespmem:s30+$0x180] =	vst v18;
	v18 =	vbroadcast v13, $0x3  }
0x8d: {  	s1 =	simm.s32 @!p1 $0x2000;
	s29 =	simm.s32 @!p0 $0x2000;
	p0 =	sgt.u32 s16, $0x15;
	[tilespmem:s4+$0x180] =	vst v15;
	v15 =	vbroadcast v13, $0x4  }
0x8e: {  	s28 =	simm.s32 @!p0 $0x2000;
	p0 =	sgt.u32 s16, $0x17;
	s0 =	simm.s32 $0x0;
	[tilespmem:s23+$0x180] =	vst v18;
	v18 =	vbroadcast v13, $0x5  }
0x8f: {  	s0 =	simm.s32 @!p4 $0x2000;
	p4 =	sgt.u32 s16, $0x7;
	p2 =	seq.s32 s9, $0x1;
	[tilespmem:s29+$0x180] =	vst v15;
	v15 =	vld.idx.msk [tilespmem:v16+s12+$0x0], $0xffff;
	v16 =	vbroadcast v13, $0x6  }
0x90: {  	s9 =	simm.s32 $0x50;
	p1 =	por p2, p2;
	s8 =	simm.s32 $0x40;
	[tilespmem:s28+$0x180] =	vst v18  }
0x91: {  	p2 =	sgt.u32 s16, $0xB;
	v20 =	vadd.s32 $0x2, v17;
	s8 =	simm.s32 @!p1 $0x2000;
	p1 =	por p6, p6;
	v11 =	vor.u32 $0x10, v14;
	[tilespmem:s17+$0x180] =	vst v16  }
0x92: {  	v17 =	vsel vm7, v17, v20;
	s9 =	simm.s32 @!p1 $0x2000;
	p1 =	por p4, p4;
	v11 =	vsel vm9, v14, v11;
	s28 =	sld [smem:$0x7EF]  }
0x93: {  	p4 =	por p5, p5;
	v14 =	vor.u32 $0x7, v11;
	s4 =	simm.s32 $0x70;
	s23 =	simm.s32 $0x80  }
0x94: {  	s4 =	simm.s32 @!p1 $0x2000;
	s23 =	simm.s32 @!p4 $0x2000;
	p4 =	sgt.u32 s16, $0xF  }
0x95: {  	p1 =	por p2, p2;
	p2 =	por p4, p4;
	p4 =	seq.s32 s28, $0x1  }
0x96: {  	s15 =	sxor.u32 $0x80000000, s5;
	s26 =	simm.s32 @!p0 $0x2000;
	v18 =	vbroadcast v13, $0x7;
	p4 =	por p4, p4  }
0x97: {  	p0 =	sgt.u32 s16, $0x18;
	v19 =	vld.idx.msk [tilespmem:v17+s12+$0x0], $0xffff;
	s31 =	simm.s32 @!p4 $0x2000;
	p4 =	sgt.u32 s16, $0x20  }
0x98: {  	s5 =	simm.s32 $0x1E0;
	s25 =	simm.s32 @!p0 $0x2000;
	v14 =	vld.idx.msk [tilespmem:v14+s12+$0x0], $0xffff;
	[tilespmem:s26+$0x180] =	vst v18;
	s26 =	simm.s32 @!p4 $0x0  }
0x99: {  	p0 =	sgt.u32 s16, $0x1A;
	s29 =	simm.s32 $0xA0;
	v16 =	vbroadcast v13, $0x8;
	s26 =	simm.s32 @p4 $0x1  }
0x9a: {  	s29 =	simm.s32 @!p3 $0x2000;
	p3 =	sgt.u32 s16, $0x21;
	[smem:$0x7F3] =	sst s26  }
0x9b: {  	s22 =	simm.s32 @!p0 $0x2000;
	p0 =	sgt.u32 s16, $0x1B;
	[tilespmem:s25+$0x180] =	vst v16;
	s25 =	simm.s32 @!p3 $0x0  }
0x9c: {  	s21 =	simm.s32 @!p0 $0x2000;
	p0 =	sgt.u32 s16, $0x1D;
	vm11 =	vle.s32 v19, v10;
	v10 =	vbroadcast v13, $0x9;
	s25 =	simm.s32 @p3 $0x1  }
0x9d: {  	s19 =	simm.s32 @!p0 $0x2000;
	p0 =	sgt.u32 s16, $0x1E;
	vm12 =	vgt.s32 v14, v9;
	v14 =	vor.u32 $0x8, v11;
	v16 =	vbroadcast v13, $0xA;
	[smem:$0x7F4] =	sst s25  }
0x9e: {  	s6 =	simm.s32 $0x1F0;
	s5 =	simm.s32 @!p0 $0x2000;
	p0 =	sgt.u32 s16, $0x1F;
	v20 =	vor.u32 $0x8, v12;
	v11 =	vsel vm12, v11, v14;
	[tilespmem:s24+$0x180] =	vst v10;
	v10 =	vbroadcast v13, $0xB  }
0x9f: {  	s6 =	simm.s32 @!p0 $0x2000;
	p0 =	sgt.u32 s16, $0x6;
	v14 =	vbroadcast v13, $0xC;
	vm13 =	vgt.s32 v15, v8;
	v15 =	vbroadcast v13, $0xD;
	[tilespmem:s22+$0x180] =	vst v16  }
0xa0: {  	p0 =	por p0, p0;
	p6 =	sgt.u32 s16, $0xC;
	s3 =	simm.s32 $0x60;
	v16 =	vsel vm13, v12, v20;
	v12 =	vor.u32 $0x3, v11;
	[tilespmem:s21+$0x180] =	vst v10;
	v10 =	vsel vm11, $0x1, v3  }
0xa1: {  	s3 =	simm.s32 @!p0 $0x2000;
	p0 =	sgt.u32 s16, $0xD;
	p3 =	sgt.u32 s16, $0x2B;
	v20 =	vadd.s32 v10, v17;
	[tilespmem:s20+$0x180] =	vst v14;
	v10 =	vbroadcast v13, $0xE  }
0xa2: {  	p6 =	por p6, p6;
	p0 =	por p0, p0;
	p3 =	por p3, p3;
	v13 =	vbroadcast v13, $0xF;
	[tilespmem:s19+$0x180] =	vst v15  }
0xa3: {  	p4 =	por p6, p6;
	p6 =	sgt.u32 s16, $0x2C;
	[tilespmem:s5+$0x180] =	vst v10;
	s5 =	simm.s32 @!p3 $0x0  }
0xa4: {  	p0 =	por p0, p0;
	[tilespmem:s6+$0x180] =	vst v13;
	s5 =	simm.s32 @p3 $0x1;
	p3 =	por p6, p6  }
0xa5: {  	s26 =	simm.s32 $0xD0;
	v18 =	vor.u32 $0x3, v16;
	v12 =	vld.idx.msk [tilespmem:v12+s12+$0x0], $0xffff;
	[smem:$0x7F0] =	sst s5;
	s5 =	simm.s32 @!p3 $0x0  }
0xa6: {  	s26 =	simm.s32 @!p0 $0x2000;
	p0 =	sgt.u32 s16, $0x2D;
	v14 =	vbroadcast v20, $0x0;
	s5 =	simm.s32 @p3 $0x1  }
0xa7: {  	p0 =	por p0, p0;
	[smem:$0x7F1] =	sst s5  }
0xa8: {  	[tilespmem:s0+$0x180] =	vst v14;
	s0 =	simm.s32 @!p0 $0x0  }
0xa9: {  	v15 =	vbroadcast v20, $0x1;
	s0 =	simm.s32 @p0 $0x1  }
0xaa: {  	v21 =	vbroadcast v20, $0x2;
	v25 =	vld.idx.msk [tilespmem:v18+s12+$0x0], $0xffff;
	[smem:$0x7F2] =	sst s0  }
0xab: {  	v10 =	vbroadcast v20, $0x3;
	[tilespmem:s2+$0x180] =	vst v15  }
0xac: {  	[tilespmem:s7+$0x180] =	vst v21  }
0xad: {  	p5 =	sgt.u32 s16, $0xE;
	s21 =	sld [smem:$0x7F3];
	[tilespmem:s1+$0x180] =	vst v10  }
0xae: {  	s30 =	simm.s32 $0xB0;
	p1 =	por p1, p1;
	s22 =	sld [smem:$0x7F4]  }
0xaf: {  	p5 =	por p5, p5;
	s30 =	simm.s32 @!p1 $0x2000  }
0xb0: {  	p1 =	por p5, p5;
	p2 =	por p2, p2;
	s28 =	simm.s32 $0xE0  }
0xb1: {  	s28 =	simm.s32 @!p1 $0x2000;
	p1 =	seq.s32 s21, $0x1;
	p3 =	seq.s32 s22, $0x1  }
0xb2: {  	s24 =	simm.s32 $0xF0;
	p6 =	por p1, p1;
	p1 =	por p3, p3  }
0xb3: {  	s24 =	simm.s32 @!p2 $0x2000;
	p2 =	sgt.u32 s16, $0x22;
	s0 =	simm.s32 @!p1 $0x0  }
0xb4: {  	p0 =	por p2, p2;
	s0 =	simm.s32 @p1 $0x1  }
0xb5: {  	p1 =	sgt.u32 s16, $0x23;
	[smem:$0x7F5] =	sst s0;
	s0 =	simm.s32 @!p0 $0x0  }
0xb6: {  	v22 =	vbroadcast v20, $0x4;
	s0 =	simm.s32 @p0 $0x1;
	p0 =	por p1, p1  }
0xb7: {  	p2 =	sgt.u32 s16, $0x24;
	[smem:$0x7F6] =	sst s0;
	s0 =	simm.s32 @!p0 $0x0  }
0xb8: {  	v23 =	vbroadcast v20, $0x5;
	[tilespmem:s8+$0x180] =	vst v22;
	s0 =	simm.s32 @p0 $0x1;
	p0 =	por p2, p2  }
0xb9: {  	[smem:$0x7F7] =	sst s0;
	s0 =	simm.s32 @!p0 $0x0  }
0xba: {  	v24 =	vbroadcast v20, $0x6;
	[tilespmem:s9+$0x180] =	vst v23;
	s0 =	simm.s32 @p0 $0x1;
	p0 =	sgt.u32 s16, $0x26  }
0xbb: {  	[smem:$0x7F8] =	sst s0;
	s0 =	simm.s32 @!p0 $0x0  }
0xbc: {  	p5 =	sgt.u32 s16, $0x2F;
	[tilespmem:s3+$0x180] =	vst v24;
	s0 =	simm.s32 @p0 $0x1;
	p0 =	sgt.u32 s16, $0x27  }
0xbd: {  	s17 =	simm.s32 $0x3F;
	[smem:$0x7F9] =	sst s0;
	s0 =	simm.s32 @!p0 $0x0  }
0xbe: {  	p5 =	por p5, p5;
	v26 =	vbroadcast v20, $0x7;
	s0 =	simm.s32 @p0 $0x1;
	p0 =	sgt.u32 s16, $0x28  }
0xbf: {  	s25 =	simm.s32 $0xC0;
	v19 =	vbroadcast v20, $0x9;
	[smem:$0x7FA] =	sst s0;
	s0 =	simm.s32 @!p0 $0x0  }
0xc0: {  	s25 =	simm.s32 @!p4 $0x2000;
	v17 =	vbroadcast v20, $0xA;
	v13 =	vbroadcast v20, $0xC;
	[tilespmem:s4+$0x180] =	vst v26;
	s0 =	simm.s32 @p0 $0x1;
	p0 =	sgt.u32 s16, $0x29  }
0xc1: {  	p4 =	sgt.u32 s16, $0x2E;
	v18 =	vbroadcast v20, $0x8;
	v14 =	vbroadcast v20, $0xD;
	[smem:$0x7FB] =	sst s0;
	s0 =	simm.s32 @!p0 $0x0  }
0xc2: {  	p4 =	por p4, p4;
	vm14 =	vgt.s32 v12, v9;
	v12 =	vbroadcast v20, $0xF;
	v15 =	vbroadcast v20, $0xB;
	s0 =	simm.s32 @p0 $0x1;
	p0 =	sgt.u32 s16, $0x2A  }
0xc3: {  	s20 =	simm.s32 $0x2;
	v21 =	vor.u32 $0x4, v16;
	vm15 =	vgt.s32 v25, v8;
	v22 =	vor.u32 $0x4, v11;
	[smem:$0x7FC] =	sst s0;
	s0 =	simm.s32 @!p0 $0x0  }
0xc4: {  	s19 =	simm.s32 $0x3F;
	v10 =	vbroadcast v20, $0xE;
	p3 =	sgt.u32 s16, $0x25;
	v20 =	vsel vm14, v11, v22;
	v11 =	vsel vm15, v16, v21;
	s0 =	simm.s32 @p0 $0x1  }
0xc5: {  	s21 =	simm.s32 $0x100;
	p1 =	por p3, p3;
	v22 =	vadd.s32 $0x1, v20;
	v21 =	vadd.s32 $0x1, v11;
	v16 =	vadd.s32 $0x2, v11;
	[smem:$0x7FD] =	sst s0  }
.LBB2_2:
0xc6: {  	s3 =	sld [smem:$0x7F9]  }
0xc7: {  	s4 =	sld [smem:$0x7FA]  }
0xc8: {  	s5 =	sld [smem:$0x7FB]  }
0xc9: {  	s6 =	sld [smem:$0x7FC]  }
0xca: {  	s0 =	simm.s32 @!p5 $0x0;
	s17 =	sadd.s32 $0x20, s17;
	s7 =	sld [smem:$0x7FD]  }
0xcb: {  	s20 =	sadd.s32 $0x2, s20;
	s21 =	sadd.s32 $0x200, s21;
	s0 =	simm.s32 @p5 $0x1  }
0xcc: {  	s1 =	sadd.s32 $0xFFFFFFE2, s17;
	s22 =	sadd.s32 $0xFFFFFFF1, s17;
	s2 =	sadd.s32 $0xFFFFFFE3, s17  }
0xcd: {  	s8 =	sadd.s32 $0xFFFFFFE9, s17;
	[smem:$0x7DA] =	sst s0;
	s0 =	simm.s32 @!p6 $0x0  }
0xce: {  	v23 =	vld.idx.msk [tilespmem:v5+s12+$0x0], $0xffff;
	[tilespmem:s23+$0x180] =	vst v18;
	s9 =	sadd.s32 $0xFFFFFFEA, s17;
	s23 =	sadd.s32 $0xFFFFFFEB, s17;
	s0 =	simm.s32 @p6 $0x1  }
0xcf: {  	p0 =	seq.s32 s3, $0x1;
	[smem:$0x7DC] =	sst s0;
	s0 =	simm.s32 @!p1 $0x0  }
0xd0: {  	[tilespmem:s31+$0x180] =	vst v19;
	s31 =	sadd.s32 $0xFFFFFF90, s21;
	p2 =	por p0, p0;
	s0 =	simm.s32 @p1 $0x1  }
0xd1: {  	p3 =	seq.s32 s4, $0x1;
	[smem:$0x7DD] =	sst s0;
	s0 =	simm.s32 @!p2 $0x0  }
0xd2: {  	v19 =	vld.idx.msk [tilespmem:v21+s12+$0x0], $0xffff;
	[tilespmem:s29+$0x180] =	vst v17;
	s29 =	sadd.s32 $0xFFFFFFEE, s17;
	s0 =	simm.s32 @p2 $0x1;
	p2 =	por p3, p3  }
0xd3: {  	p5 =	seq.s32 s5, $0x1;
	[smem:$0x7DE] =	sst s0;
	s0 =	simm.s32 @!p2 $0x0  }
0xd4: {  	p6 =	seq.s32 s6, $0x1;
	s0 =	simm.s32 @p2 $0x1;
	p2 =	por p5, p5  }
0xd5: {  	s3 =	sadd.s32 $0xFFFFFFE4, s17;
	[smem:$0x7E0] =	sst s0;
	s0 =	simm.s32 @!p2 $0x0  }
0xd6: {  	s4 =	sadd.s32 $0xFFFFFFE5, s17;
	s0 =	simm.s32 @p2 $0x1;
	p2 =	por p6, p6  }
0xd7: {  	p1 =	seq.s32 s7, $0x1;
	[smem:$0x7E1] =	sst s0;
	s0 =	simm.s32 @!p2 $0x0  }
0xd8: {  	s5 =	sadd.s32 $0xFFFFFFE6, s17;
	s0 =	simm.s32 @p2 $0x1;
	p2 =	por p1, p1  }
0xd9: {  	[tilespmem:s30+$0x180] =	vst v15;
	s6 =	sadd.s32 $0xFFFFFFE7, s17;
	[smem:$0x7E2] =	sst s0;
	s0 =	simm.s32 @!p2 $0x0  }
0xda: {  	s30 =	sadd.s32 $0xFFFFFFB0, s21;
	[tilespmem:s25+$0x180] =	vst v13;
	s25 =	sadd.s32 $0xFFFFFFEC, s17;
	s0 =	simm.s32 @p2 $0x1  }
0xdb: {  	s7 =	sadd.s32 $0xFFFFFFE8, s17;
	[tilespmem:s26+$0x180] =	vst v14;
	[smem:$0x7E3] =	sst s0;
	s0 =	sadd.s32 $0xFFFFFFE1, s17  }
0xdc: {  	s26 =	sadd.s32 $0xFFFFFFED, s17;
	[tilespmem:s28+$0x180] =	vst v10;
	s28 =	sadd.s32 $0xFFFFFFF0, s17;
	p0 =	slt.u32 s0, s16  }
0xdd: {  	[tilespmem:s24+$0x180] =	vst v12;
	s24 =	sld [smem:$0x7DA];
	p5 =	slt.u32 s26, s16;
	v17 =	vmov s0;
	s0 =	simm.s32 @!p0 $0x0  }
0xde: {  	s26 =	smov.u32 s21;
	s0 =	simm.s32 @p0 $0x1;
	p0 =	slt.u32 s1, s16  }
0xdf: {  	p6 =	slt.u32 s29, s16;
	s29 =	sadd.s32 $0xFFFFFFA0, s21;
	s1 =	simm.s32 @!p0 $0x0  }
0xe0: {  	p1 =	slt.u32 s28, s16;
	s1 =	simm.s32 @p0 $0x1;
	p0 =	slt.u32 s2, s16  }
0xe1: {  	s28 =	sadd.s32 $0xFFFFFFE0, s21;
	[smem:$0x7E4] =	sst s1;
	s1 =	simm.s32 @!p0 $0x0  }
0xe2: {  	[smem:$0x7DF] =	sst s0;
	s1 =	simm.s32 @p0 $0x1;
	p0 =	slt.u32 s3, s16  }
0xe3: {  	s0 =	sadd.s32 $0xFFFFFFEF, s17;
	[smem:$0x7E7] =	sst s1;
	s1 =	simm.s32 @!p0 $0x0  }
0xe4: {  	p3 =	slt.u32 s0, s16;
	s1 =	simm.s32 @p0 $0x1;
	p0 =	slt.u32 s4, s16  }
0xe5: {  	s0 =	simm.s32 @!p1 $0x0;
	[smem:$0x7EA] =	sst s1;
	s1 =	simm.s32 @!p0 $0x0  }
0xe6: {  	s2 =	sadd.s32 $0xB0, s21;
	s1 =	simm.s32 @p0 $0x1;
	p0 =	slt.u32 s5, s16  }
0xe7: {  	s0 =	simm.s32 @p1 $0x1;
	[smem:$0x7EB] =	sst s1;
	s1 =	simm.s32 @!p0 $0x0  }
0xe8: {  	[smem:$0x7DB] =	sst s0;
	s1 =	simm.s32 @p0 $0x1;
	p0 =	slt.u32 s6, s16  }
0xe9: {  	v18 =	vld.idx.msk [tilespmem:v22+s12+$0x0], $0xffff;
	s3 =	sadd.s32 $0xA0, s21;
	[smem:$0x7EC] =	sst s1;
	s1 =	simm.s32 @!p0 $0x0  }
0xea: {  	s4 =	sadd.s32 $0x90, s21;
	s1 =	simm.s32 @p0 $0x1;
	p0 =	slt.u32 s7, s16  }
0xeb: {  	s5 =	sadd.s32 $0x80, s21;
	[smem:$0x7F9] =	sst s1;
	s1 =	simm.s32 @!p0 $0x0  }
0xec: {  	s1 =	simm.s32 @p0 $0x1;
	p0 =	slt.u32 s8, s16;
	s8 =	sld [smem:$0x7F0]  }
0xed: {  	v21 =	vmov s22;
	s6 =	sadd.s32 $0x70, s21;
	[smem:$0x7FA] =	sst s1;
	s1 =	simm.s32 @!p0 $0x0  }
0xee: {  	vm1 =	vgt.s32 v18, v9;
	v15 =	vshll.u32 v17, $0x4;
	v17 =	vshll.u32 v21, $0x4;
	s1 =	simm.s32 @p0 $0x1;
	p0 =	slt.u32 s9, s16;
	s9 =	sld [smem:$0x7F1]  }
0xef: {  	v10 =	vadd.s32 $0x2, v20;
	v13 =	vor.u32 v4, v15;
	v15 =	vor.u32 v4, v17;
	s7 =	sadd.s32 $0x60, s21;
	[smem:$0x7FB] =	sst s1;
	s1 =	simm.s32 @!p0 $0x0  }
0xf0: {  	v10 =	vsel vm1, v20, v10;
	v14 =	vadd.s32 v1, v15;
	p1 =	seq.s32 s8, $0x1;
	s1 =	simm.s32 @p0 $0x1;
	p0 =	slt.u32 s23, s16  }
0xf1: {  	v13 =	vadd.s32 v1, v13;
	vm0 =	vgt.s32 v23, v14;
	p2 =	por p1, p1;
	[smem:$0x7FC] =	sst s1;
	s1 =	simm.s32 @!p0 $0x0  }
0xf2: {  	vm2 =	vgt.s32 v23, v13;
	v12 =	vsel vm0, $0x0, v6;
	s23 =	sld [smem:$0x7F2];
	s0 =	simm.s32 @!p2 $0x0;
	s1 =	simm.s32 @p0 $0x1  }
0xf3: {  	v15 =	vsel vm2, $0x0, v6;
	v17 =	vor.u32 $0xF, v12;
	p0 =	por p4, p4;
	p4 =	slt.u32 s25, s16;
	s25 =	sld [smem:$0x7DB]  }
0xf4: {  	vm7 =	vgt.s32 v19, v8;
	v18 =	vor.u32 $0xF, v15;
	s8 =	sadd.s32 $0x50, s21;
	s0 =	simm.s32 @p2 $0x1;
	[smem:$0x7FD] =	sst s1  }
0xf5: {  	v11 =	vsel vm7, v11, v16;
	v16 =	vld.idx.msk [tilespmem:v10+s12+$0x0], $0xffff;
	p2 =	seq.s32 s9, $0x1;
	s9 =	sadd.s32 $0x40, s21;
	[smem:$0x7E5] =	sst s0  }
0xf6: {  	p1 =	por p4, p4;
	p4 =	por p5, p5;
	p5 =	seq.s32 s24, $0x1  }
0xf7: {  	s24 =	sadd.s32 $0x20, s21;
	s1 =	sadd.s32 $0xD0, s21;
	s0 =	simm.s32 @!p1 $0x0  }
0xf8: {  	v17 =	vld.idx.msk [tilespmem:v17+s12+$0x0], $0xffff;
	s0 =	simm.s32 @p1 $0x1;
	p1 =	por p2, p2;
	p2 =	seq.s32 s23, $0x1  }
0xf9: {  	v18 =	vld.idx.msk [tilespmem:v18+s12+$0x0], $0xffff;
	s23 =	sadd.s32 $0x10, s21;
	[smem:$0x7F0] =	sst s0;
	s0 =	simm.s32 @!p1 $0x0  }
0xfa: {  	vm8 =	vle.s32 v16, v9;
	s0 =	simm.s32 @p1 $0x1;
	p1 =	por p2, p2;
	p2 =	slt.u32 s18, s16  }
0xfb: {  	v16 =	vsel vm8, $0x1, v3;
	s18 =	sadd.s32 $0xFFFFFFF2, s19;
	[smem:$0x7E6] =	sst s0;
	s0 =	simm.s32 @!p4 $0x0  }
0xfc: {  	v10 =	vadd.s32 v16, v10;
	s26 =	simm.s32 @!p2 $0x2000;
	p2 =	slt.u32 s18, s16;
	s18 =	sadd.s32 $0xFFFFFFF3, s19  }
0xfd: {  	v20 =	vld.idx.msk [tilespmem:v11+s12+$0x0], $0xffff;
	v16 =	vbroadcast v10, $0x0;
	v9 =	vmov v14;
	v19 =	vor.u32 $0x10, v15;
	s0 =	simm.s32 @p4 $0x1;
	p4 =	por p6, p6;
	p6 =	seq.s32 s25, $0x1  }
0xfe: {  	v14 =	vor.u32 $0x10, v12;
	vm9 =	vgt.s32 v17, v9;
	vm10 =	vgt.s32 v18, v13;
	s25 =	sadd.s32 $0x30, s21;
	s23 =	simm.s32 @!p2 $0x2000;
	p2 =	slt.u32 s18, s16  }
0xff: {  	v12 =	vsel vm9, v12, v14;
	v14 =	vsel vm10, v15, v19;
	v19 =	vbroadcast v10, $0x1;
	[tilespmem:s26+$0x180] =	vst v16;
	s26 =	sadd.s32 $0xFFFFFFF4, s19;
	s18 =	sadd.s32 $0xFFFFFFF8, s19;
	[smem:$0x7F1] =	sst s0  }
0x100: {  	v15 =	vor.u32 $0x7, v12;
	s0 =	simm.s32 @!p1 $0x0;
	s24 =	simm.s32 @!p2 $0x2000;
	p2 =	slt.u32 s26, s16  }
0x101: {  	v16 =	vbroadcast v10, $0x2;
	[tilespmem:s23+$0x180] =	vst v19;
	s23 =	sadd.s32 $0xFFFFFFF5, s19;
	s26 =	sadd.s32 $0xFFFFFFF7, s19;
	s0 =	simm.s32 @p1 $0x1  }
0x102: {  	vm11 =	vle.s32 v20, v8;
	p1 =	por p0, p0;
	p0 =	slt.u32 s20, $0x1E;
	s25 =	simm.s32 @!p2 $0x2000  }
0x103: {  	v8 =	vmov v13;
	v13 =	vsel vm11, $0x1, v3;
	v19 =	vbroadcast v10, $0x3;
	[tilespmem:s24+$0x180] =	vst v16;
	p2 =	slt.u32 s23, s16;
	s24 =	sadd.s32 $0xFFFFFFF6, s19;
	s23 =	sadd.s32 $0xFFFFFFF9, s19  }
0x104: {  	v11 =	vadd.s32 v13, v11;
	v13 =	vbroadcast v10, $0x4;
	v17 =	vor.u32 $0x7, v14;
	[smem:$0x7E8] =	sst s0;
	s0 =	simm.s32 @!p4 $0x0;
	s9 =	simm.s32 @!p2 $0x2000  }
0x105: {  	v15 =	vld.idx.msk [tilespmem:v15+s12+$0x0], $0xffff;
	[tilespmem:s25+$0x180] =	vst v19;
	p2 =	slt.u32 s24, s16;
	s24 =	sadd.s32 $0xFFFFFFFA, s19;
	s25 =	sadd.s32 $0xFFFFFFFB, s19  }
0x106: {  	s0 =	simm.s32 @p4 $0x1;
	[tilespmem:s9+$0x180] =	vst v13;
	s8 =	simm.s32 @!p2 $0x2000;
	s9 =	sld [smem:$0x7DC]  }
0x107: {  	v19 =	vbroadcast v10, $0x5;
	p2 =	slt.u32 s26, s16;
	s26 =	sadd.s32 $0xFFFFFFFC, s19;
	[smem:$0x7F2] =	sst s0  }
0x108: {  	v13 =	vbroadcast v10, $0x6;
	s0 =	simm.s32 @!p1 $0x0;
	s7 =	simm.s32 @!p2 $0x2000;
	p2 =	slt.u32 s18, s16  }
0x109: {  	v17 =	vld.idx.msk [tilespmem:v17+s12+$0x0], $0xffff;
	[tilespmem:s8+$0x180] =	vst v19;
	s8 =	sadd.s32 $0xFFFFFFFF, s19;
	s18 =	sld [smem:$0x7F5];
	s0 =	simm.s32 @p1 $0x1  }
0x10a: {  	v19 =	vbroadcast v10, $0x7;
	[tilespmem:s7+$0x180] =	vst v13;
	s6 =	simm.s32 @!p2 $0x2000;
	p2 =	slt.u32 s23, s16;
	s7 =	sadd.s32 $0xFFFFFFFE, s19  }
0x10b: {  	s23 =	sadd.s32 $0xFFFFFF80, s21;
	[smem:$0x7E9] =	sst s0;
	s0 =	simm.s32 @!p0 $0x0  }
0x10c: {  	v13 =	vbroadcast v10, $0x8;
	[tilespmem:s6+$0x180] =	vst v19;
	s5 =	simm.s32 @!p2 $0x2000;
	p2 =	slt.u32 s24, s16;
	s6 =	sadd.s32 $0xFFFFFFFD, s19  }
0x10d: {  	s0 =	simm.s32 @p0 $0x1;
	s4 =	simm.s32 @!p2 $0x2000;
	p2 =	slt.u32 s25, s16  }
0x10e: {  	v18 =	vor.u32 $0x8, v14;
	vm13 =	vgt.s32 v17, v8;
	v19 =	vbroadcast v10, $0x9;
	[tilespmem:s5+$0x180] =	vst v13;
	s5 =	sadd.s32 $0xFFFFFF40, s21;
	p0 =	seq.s32 s9, $0x1;
	s9 =	sld [smem:$0x7DD]  }
0x10f: {  	v26 =	vsel vm13, v14, v18;
	v13 =	vbroadcast v10, $0xA;
	[smem:$0x7ED] =	sst s0;
	s3 =	simm.s32 @!p2 $0x2000;
	p2 =	slt.u32 s26, s16  }
0x110: {  	vm12 =	vgt.s32 v15, v9;
	v15 =	vor.u32 $0x8, v12;
	s0 =	sadd.s32 $0xC0, s21;
	[tilespmem:s4+$0x180] =	vst v19;
	v19 =	vbroadcast v10, $0xB;
	s4 =	sadd.s32 $0xFFFFFF30, s21;
	s2 =	simm.s32 @!p2 $0x2000  }
0x111: {  	v27 =	vor.u32 $0x3, v26;
	v25 =	vsel vm12, v12, v15;
	v12 =	vbroadcast v10, $0xC;
	[tilespmem:s3+$0x180] =	vst v13;
	p2 =	slt.u32 s6, s16;
	s3 =	sadd.s32 $0xFFFFFF10, s21;
	s6 =	sadd.s32 $0xFFFFFF60, s21  }
0x112: {  	[tilespmem:s2+$0x180] =	vst v19;
	s0 =	simm.s32 @!p2 $0x2000;
	p2 =	slt.u32 s7, s16;
	s2 =	sadd.s32 $0xFFFFFF00, s21  }
0x113: {  	v14 =	vbroadcast v10, $0xD;
	[tilespmem:s0+$0x180] =	vst v12;
	s1 =	simm.s32 @!p2 $0x2000;
	p2 =	slt.u32 s8, s16;
	s0 =	sadd.s32 $0xE0, s21  }
0x114: {  	v16 =	vbroadcast v11, $0x0;
	s2 =	simm.s32 @!p0 $0x2000;
	p0 =	seq.s32 s18, $0x1;
	s8 =	sld [smem:$0x7F8]  }
0x115: {  	v20 =	vbroadcast v11, $0x1;
	[tilespmem:s1+$0x180] =	vst v14;
	s0 =	simm.s32 @!p2 $0x2000;
	p2 =	slt.u32 s19, s16;
	s19 =	sld [smem:$0x7F6]  }
0x116: {  	v27 =	vld.idx.msk [tilespmem:v27+s12+$0x0], $0xffff;
	s7 =	sadd.s32 $0xFFFFFF70, s21;
	v12 =	vbroadcast v10, $0xE;
	[tilespmem:s2+$0x180] =	vst v16;
	s3 =	simm.s32 @!p0 $0x2000;
	s2 =	sld [smem:$0x7DF]  }
0x117: {  	v10 =	vbroadcast v10, $0xF;
	s18 =	smov.u32 s22;
	s1 =	sadd.s32 $0xF0, s21;
	[tilespmem:s3+$0x180] =	vst v20;
	s3 =	sld [smem:$0x7F7]  }
0x118: {  	s22 =	sld [smem:$0x7DE];
	[tilespmem:s0+$0x180] =	vst v12;
	s1 =	simm.s32 @!p2 $0x2000;
	s0 =	sadd.s32 $0xFFFFFF20, s21  }
0x119: {  	v21 =	vbroadcast v11, $0x2;
	[tilespmem:s1+$0x180] =	vst v10;
	s1 =	sadd.s32 $0xFFFFFF50, s21;
	p0 =	seq.s32 s19, $0x1;
	p1 =	seq.s32 s2, $0x1  }
0x11a: {  	v22 =	vbroadcast v11, $0x3;
	s0 =	simm.s32 @!p0 $0x2000;
	p0 =	seq.s32 s3, $0x1;
	s3 =	sld [smem:$0x7E0]  }
0x11b: {  	s4 =	simm.s32 @!p0 $0x2000;
	p0 =	seq.s32 s8, $0x1;
	[tilespmem:s0+$0x180] =	vst v21;
	s8 =	sld [smem:$0x7E2]  }
0x11c: {  	s5 =	simm.s32 @!p0 $0x2000;
	p0 =	seq.s32 s9, $0x1;
	[tilespmem:s4+$0x180] =	vst v22;
	s4 =	sld [smem:$0x7E1]  }
0x11d: {  	v23 =	vbroadcast v11, $0x4;
	s9 =	sld [smem:$0x7E3];
	s1 =	simm.s32 @!p0 $0x2000;
	p0 =	seq.s32 s22, $0x1  }
0x11e: {  	v24 =	vbroadcast v11, $0x5;
	s22 =	sld [smem:$0x7E4];
	s6 =	simm.s32 @!p0 $0x2000;
	p0 =	seq.s32 s3, $0x1  }
0x11f: {  	s2 =	sld [smem:$0x7E6];
	[tilespmem:s5+$0x180] =	vst v23;
	s7 =	simm.s32 @!p0 $0x2000;
	p0 =	seq.s32 s4, $0x1  }
0x120: {  	[tilespmem:s1+$0x180] =	vst v24;
	s1 =	sld [smem:$0x7E5];
	s23 =	simm.s32 @!p0 $0x2000;
	p0 =	seq.s32 s8, $0x1  }
0x121: {  	p2 =	seq.s32 s22, $0x1;
	s31 =	simm.s32 @!p0 $0x2000;
	p0 =	seq.s32 s9, $0x1  }
0x122: {  	s3 =	sld [smem:$0x7E7];
	s29 =	simm.s32 @!p0 $0x2000;
	p0 =	por p2, p2  }
0x123: {  	s25 =	sadd.s32 $0xFFFFFFC0, s21;
	s5 =	sld [smem:$0x7E9];
	s0 =	simm.s32 @!p0 $0x0  }
0x124: {  	v29 =	vbroadcast v11, $0x6;
	s4 =	sld [smem:$0x7E8];
	s0 =	simm.s32 @p0 $0x1;
	p0 =	seq.s32 s1, $0x1  }
0x125: {  	p2 =	seq.s32 s3, $0x1;
	s30 =	simm.s32 @!p0 $0x2000;
	p0 =	seq.s32 s2, $0x1  }
0x126: {  	[tilespmem:s6+$0x180] =	vst v29;
	s6 =	sld [smem:$0x7EA];
	s25 =	simm.s32 @!p0 $0x2000;
	p0 =	por p2, p2  }
0x127: {  	s26 =	sadd.s32 $0xFFFFFFD0, s21;
	v13 =	vor.u32 $0x3, v25;
	[smem:$0x7F5] =	sst s0;
	s0 =	simm.s32 @!p0 $0x0  }
0x128: {  	s8 =	sld [smem:$0x7EB];
	s0 =	simm.s32 @p0 $0x1;
	p0 =	seq.s32 s4, $0x1  }
0x129: {  	p2 =	seq.s32 s6, $0x1;
	s26 =	simm.s32 @!p0 $0x2000;
	p0 =	seq.s32 s5, $0x1  }
0x12a: {  	s22 =	sld [smem:$0x7ED];
	s28 =	simm.s32 @!p0 $0x2000;
	p0 =	por p2, p2  }
0x12b: {  	[smem:$0x7F6] =	sst s0;
	p2 =	seq.s32 s8, $0x1;
	s0 =	simm.s32 @!p0 $0x0  }
0x12c: {  	v31 =	vld.idx.msk [tilespmem:v13+s12+$0x0], $0xffff;
	s0 =	simm.s32 @p0 $0x1;
	p0 =	por p2, p2  }
0x12d: {  	v30 =	vbroadcast v11, $0x7;
	v17 =	vbroadcast v11, $0xA;
	[smem:$0x7F7] =	sst s0;
	s0 =	simm.s32 @!p0 $0x0  }
0x12e: {  	v18 =	vbroadcast v11, $0x8;
	v15 =	vbroadcast v11, $0xB;
	s0 =	simm.s32 @p0 $0x1;
	p0 =	seq.s32 s22, $0x1  }
.Ltmp2:
0x12f: {  	v28 =	vor.u32 $0x4, v26;
	v19 =	vbroadcast v11, $0x9;
	v14 =	vbroadcast v11, $0xD;
	s9 =	sld [smem:$0x7EC];
	(pc) =	sbr.rel @p0 .LBB2_2-.Ltmp2, $4  }
0x130: {  	p4 =	por p3, p3;
	vm15 =	vgt.s32 v27, v8;
	v12 =	vbroadcast v11, $0xF;
	v10 =	vbroadcast v11, $0xE  }
0x131: {  	p3 =	por p5, p5;
	p5 =	por p6, p6;
	s24 =	sadd.s32 $0xFFFFFFF0, s21;
	v13 =	vbroadcast v11, $0xC;
	v11 =	vor.u32 $0x4, v25;
	vm14 =	vgt.s32 v31, v9  }
0x132: {  	s24 =	simm.s32 @!p3 $0x2000;
	s19 =	smov.u32 s17;
	v20 =	vsel vm14, v25, v11;
	v11 =	vsel vm15, v26, v28;
	p3 =	seq.s32 s9, $0x1  }
0x133: {  	p6 =	por p1, p1;
	v22 =	vadd.s32 $0x1, v20;
	v21 =	vadd.s32 $0x1, v11;
	v16 =	vadd.s32 $0x2, v11;
	[tilespmem:s7+$0x180] =	vst v30;
	p1 =	por p3, p3;
	[smem:$0x7F8] =	sst s0  }
0x134: {  	_ =	sdelay $0x3  }
0x135: {  	v22 =	vld.idx.msk [tilespmem:v22+s12+$0x0], $0xffff;
	_ =	sdelay $0x4  }
0x136: {  	v35 =	vadd.s32 $0x2, v20;
	vm0 =	vgt.s32 v22, v9  }
0x137: {  	v20 =	vsel vm0, v20, v35;
	_ =	sdelay $0x4  }
0x138: {  	v22 =	vld.idx.msk [tilespmem:v20+s12+$0x0], $0xffff;
	_ =	sdelay $0x1  }
0x139: {  	[tilespmem:s23+$0x180] =	vst v18  }
0x13a: {  	s17 =	sadd.s32 $0x200, s21;
	p2 =	slt.u32 s18, s16;
	[tilespmem:s31+$0x180] =	vst v19  }
0x13b: {  	s2 =	sadd.s32 $0xFFFFFFF2, s19;
	s3 =	sadd.s32 $0xFFFFFFF3, s19;
	s21 =	sadd.s32 $0xFFFFFFF4, s19;
	[tilespmem:s29+$0x180] =	vst v17  }
0x13c: {  	v36 =	vld.idx.msk [tilespmem:v21+s12+$0x0], $0xffff;
	s5 =	sadd.s32 $0xFFFFFFF5, s19;
	s22 =	sadd.s32 $0xFFFFFFF6, s19;
	s7 =	sadd.s32 $0xFFFFFFF7, s19;
	[tilespmem:s30+$0x180] =	vst v15;
	vm13 =	vle.s32 v22, v9  }
0x13d: {  	s23 =	sadd.s32 $0xFFFFFFF8, s19;
	s0 =	smov.u32 s17;
	s1 =	sadd.s32 $0x10, s17;
	[tilespmem:s25+$0x180] =	vst v13;
	v9 =	vsel vm13, $0x1, v3  }
0x13e: {  	s4 =	sadd.s32 $0x20, s17;
	p3 =	slt.u32 s3, s16;
	s6 =	sadd.s32 $0x40, s17;
	[tilespmem:s26+$0x180] =	vst v14;
	v9 =	vadd.s32 v9, v20  }
0x13f: {  	s3 =	sadd.s32 $0x50, s17;
	s8 =	sadd.s32 $0x60, s17;
	s31 =	sadd.s32 $0xFFFFFFFF, s19;
	[tilespmem:s28+$0x180] =	vst v10;
	v37 =	vbroadcast v9, $0x0  }
0x140: {  	s0 =	simm.s32 @!p2 $0x2000;
	p2 =	slt.u32 s2, s16;
	s4 =	simm.s32 @!p3 $0x2000;
	[tilespmem:s24+$0x180] =	vst v12;
	v38 =	vbroadcast v9, $0x1  }
0x141: {  	s2 =	sadd.s32 $0x30, s17;
	p3 =	slt.u32 s5, s16;
	s1 =	simm.s32 @!p2 $0x2000;
	vm14 =	vgt.s32 v36, v8;
	v39 =	vbroadcast v9, $0x2;
	[tilespmem:s0+$0x180] =	vst v37  }
0x142: {  	s5 =	sadd.s32 $0x80, s17;
	s29 =	sadd.s32 $0xFFFFFFFD, s19;
	p2 =	slt.u32 s21, s16;
	v11 =	vsel vm14, v11, v16;
	v40 =	vbroadcast v9, $0x3;
	[tilespmem:s1+$0x180] =	vst v38  }
0x143: {  	s6 =	simm.s32 @!p3 $0x2000;
	p3 =	slt.u32 s7, s16;
	s2 =	simm.s32 @!p2 $0x2000;
	v41 =	vbroadcast v9, $0x4;
	[tilespmem:s4+$0x180] =	vst v39  }
0x144: {  	s30 =	sadd.s32 $0xFFFFFFFE, s19;
	p2 =	slt.u32 s22, s16;
	s8 =	simm.s32 @!p3 $0x2000;
	v42 =	vbroadcast v9, $0x5;
	[tilespmem:s2+$0x180] =	vst v40  }
0x145: {  	s25 =	sadd.s32 $0xFFFFFFFA, s19;
	s3 =	simm.s32 @!p2 $0x2000;
	p2 =	slt.u32 s23, s16;
	v43 =	vbroadcast v9, $0x6;
	[tilespmem:s6+$0x180] =	vst v41  }
0x146: {  	s26 =	sadd.s32 $0xFFFFFFFB, s19;
	s24 =	sadd.s32 $0xFFFFFFF9, s19;
	v44 =	vbroadcast v9, $0x7;
	s0 =	sadd.s32 $0x70, s17;
	[tilespmem:s3+$0x180] =	vst v42  }
0x147: {  	s28 =	sadd.s32 $0xFFFFFFFC, s19;
	p3 =	slt.u32 s24, s16;
	v45 =	vld.idx.msk [tilespmem:v11+s12+$0x0], $0xffff;
	v46 =	vbroadcast v9, $0x8;
	s0 =	simm.s32 @!p2 $0x2000;
	[tilespmem:s8+$0x180] =	vst v43  }
0x148: {  	s5 =	simm.s32 @!p3 $0x2000;
	v47 =	vbroadcast v9, $0x9;
	s1 =	sadd.s32 $0x90, s17;
	p2 =	slt.u32 s25, s16;
	[tilespmem:s0+$0x180] =	vst v44  }
0x149: {  	p3 =	slt.u32 s26, s16;
	v48 =	vbroadcast v9, $0xA;
	s4 =	sadd.s32 $0xA0, s17;
	s1 =	simm.s32 @!p2 $0x2000;
	[tilespmem:s5+$0x180] =	vst v46  }
0x14a: {  	v49 =	vbroadcast v9, $0xB;
	p2 =	slt.u32 s28, s16;
	s4 =	simm.s32 @!p3 $0x2000;
	s0 =	sadd.s32 $0xB0, s17;
	[tilespmem:s1+$0x180] =	vst v47  }
0x14b: {  	v50 =	vbroadcast v9, $0xC;
	p3 =	slt.u32 s29, s16;
	s5 =	sadd.s32 $0xC0, s17;
	s0 =	simm.s32 @!p2 $0x2000;
	[tilespmem:s4+$0x180] =	vst v48  }
0x14c: {  	vm15 =	vle.s32 v45, v8;
	v8 =	vbroadcast v9, $0xD;
	s2 =	sadd.s32 $0xD0, s17;
	p2 =	slt.u32 s30, s16;
	s5 =	simm.s32 @!p3 $0x2000;
	[tilespmem:s0+$0x180] =	vst v49  }
0x14d: {  	v52 =	vbroadcast v9, $0xE;
	s2 =	simm.s32 @!p2 $0x2000;
	s1 =	sadd.s32 $0xE0, s17;
	p2 =	slt.u32 s31, s16;
	[tilespmem:s5+$0x180] =	vst v50  }
0x14e: {  	v51 =	vsel vm15, $0x1, v3;
	s1 =	simm.s32 @!p2 $0x2000;
	p2 =	slt.u32 s19, s16;
	s0 =	sadd.s32 $0xF0, s17;
	[tilespmem:s2+$0x180] =	vst v8;
	v8 =	vbroadcast v9, $0xF  }
0x14f: {  	v11 =	vadd.s32 v51, v11;
	s0 =	simm.s32 @!p2 $0x2000;
	[tilespmem:s1+$0x180] =	vst v52  }
0x150: {  	v53 =	vbroadcast v11, $0x0;
	s2 =	sadd.s32 $0xFFFFFF00, s17;
	[tilespmem:s0+$0x180] =	vst v8  }
0x151: {  	s2 =	simm.s32 @!p6 $0x2000;
	s0 =	sld [smem:$0x7F5]  }
0x152: {  	[tilespmem:s2+$0x180] =	vst v53  }
0x153: {  	s2 =	sld [smem:$0x7F6]  }
0x154: {  	v54 =	vbroadcast v11, $0x1;
	s1 =	sadd.s32 $0xFFFFFF10, s17;
	p0 =	seq.s32 s0, $0x1  }
0x155: {  	s1 =	simm.s32 @!p0 $0x2000  }
0x156: {  	v8 =	vbroadcast v11, $0x2;
	s0 =	sadd.s32 $0xFFFFFF20, s17;
	p0 =	seq.s32 s2, $0x1;
	[tilespmem:s1+$0x180] =	vst v54  }
0x157: {  	s0 =	simm.s32 @!p0 $0x2000;
	s1 =	sld [smem:$0x7F7]  }
0x158: {  	[tilespmem:s0+$0x180] =	vst v8  }
0x159: {  	s0 =	sld [smem:$0x7F8]  }
0x15a: {  	v55 =	vbroadcast v11, $0x3;
	s2 =	sadd.s32 $0xFFFFFF30, s17;
	p0 =	seq.s32 s1, $0x1  }
0x15b: {  	s2 =	simm.s32 @!p0 $0x2000  }
0x15c: {  	v56 =	vbroadcast v11, $0x4;
	s1 =	sadd.s32 $0xFFFFFF40, s17;
	p0 =	seq.s32 s0, $0x1;
	[tilespmem:s2+$0x180] =	vst v55  }
0x15d: {  	s1 =	simm.s32 @!p0 $0x2000;
	s2 =	sld [smem:$0x7F9]  }
0x15e: {  	[tilespmem:s1+$0x180] =	vst v56  }
0x15f: {  	v8 =	vbroadcast v11, $0x5;
	s0 =	sadd.s32 $0xFFFFFF50, s17;
	s1 =	sld [smem:$0x7FA]  }
0x160: {  	s0 =	simm.s32 @!p1 $0x2000;
	p1 =	seq.s32 s2, $0x1  }
0x161: {  	[tilespmem:s0+$0x180] =	vst v8;
	s2 =	sadd.s32 $0xFFFFFF60, s17;
	p2 =	por p1, p1  }
0x162: {  	v57 =	vbroadcast v11, $0x6;
	s0 =	sld [smem:$0x7FB];
	s2 =	simm.s32 @!p2 $0x2000;
	p2 =	seq.s32 s1, $0x1  }
0x163: {  	v58 =	vbroadcast v11, $0x7;
	s1 =	sadd.s32 $0xFFFFFF70, s17;
	p0 =	por p2, p2  }
0x164: {  	[tilespmem:s2+$0x180] =	vst v57;
	s1 =	simm.s32 @!p0 $0x2000  }
0x165: {  	p3 =	seq.s32 s0, $0x1;
	s2 =	sld [smem:$0x7FC];
	[tilespmem:s1+$0x180] =	vst v58  }
0x166: {  	v8 =	vbroadcast v11, $0x8;
	s0 =	sadd.s32 $0xFFFFFF80, s17;
	p0 =	por p3, p3;
	s1 =	sld [smem:$0x7FD]  }
0x167: {  	s0 =	simm.s32 @!p0 $0x2000  }
0x168: {  	[tilespmem:s0+$0x180] =	vst v8;
	p6 =	seq.s32 s2, $0x1;
	s2 =	sadd.s32 $0xFFFFFF90, s17  }
0x169: {  	v59 =	vbroadcast v11, $0x9;
	s0 =	sld [smem:$0x7F0];
	p0 =	por p6, p6;
	p1 =	seq.s32 s1, $0x1  }
0x16a: {  	v60 =	vbroadcast v11, $0xA;
	s2 =	simm.s32 @!p0 $0x2000;
	s1 =	sadd.s32 $0xFFFFFFA0, s17;
	p0 =	por p1, p1  }
0x16b: {  	[tilespmem:s2+$0x180] =	vst v59;
	s1 =	simm.s32 @!p0 $0x2000  }
0x16c: {  	s2 =	sld [smem:$0x7F1];
	[tilespmem:s1+$0x180] =	vst v60  }
0x16d: {  	p2 =	seq.s32 s0, $0x1;
	s1 =	sld [smem:$0x7F2]  }
0x16e: {  	s0 =	sadd.s32 $0xFFFFFFB0, s17;
	p0 =	por p2, p2  }
0x16f: {  	s0 =	simm.s32 @!p0 $0x2000;
	p3 =	seq.s32 s2, $0x1  }
0x170: {  	v8 =	vbroadcast v11, $0xB;
	s2 =	sadd.s32 $0xFFFFFFC0, s17;
	p0 =	por p3, p3;
	p6 =	seq.s32 s1, $0x1  }
0x171: {  	v61 =	vbroadcast v11, $0xC;
	s2 =	simm.s32 @!p0 $0x2000;
	s1 =	sadd.s32 $0xFFFFFFD0, s17;
	p0 =	por p6, p6  }
0x172: {  	[tilespmem:s0+$0x180] =	vst v8;
	s0 =	sadd.s32 $0xFFFFFFE0, s17;
	s1 =	simm.s32 @!p0 $0x2000;
	p0 =	por p4, p4  }
0x173: {  	[tilespmem:s2+$0x180] =	vst v61;
	s2 =	sadd.s32 $0xFFFFFFF0, s17;
	s0 =	simm.s32 @!p0 $0x2000;
	p0 =	por p5, p5  }
0x174: {  	s2 =	simm.s32 @!p0 $0x2000;
	p0 =	slt.s32 s15, $0x1  }
.Ltmp3:
0x175: {  	v62 =	vbroadcast v11, $0xD;
	(pc) =	sbr.rel @p0 .LBB2_6-.Ltmp3, $4  }
0x176: {  	v8 =	vbroadcast v11, $0xE  }
0x177: {  	v63 =	vbroadcast v11, $0xF;
	[tilespmem:s1+$0x180] =	vst v62  }
0x178: {  	[tilespmem:s0+$0x180] =	vst v8  }
0x179: {  	s6 =	simm.s32 $0x0;
	s1 =	simm.s32 $0x2;
	[tilespmem:s2+$0x180] =	vst v63  }
0x17a: {  	v8 =	vmov s14;
	s0 =	simm.s32 $0x0  }
.LBB2_5:
0x17b: {  	v9 =	vmov s0;
	_ =	sdelay $0x4  }
0x17c: {  	v9 =	vld.idx.msk [tilespmem:v9+s10+$0x0], $0xffff;
	_ =	sdelay $0x1  }
0x17d: {  	v10 =	vld.idx.msk [tilespmem:v5+s12+$0x0], $0xffff;
	_ =	sdelay $0x2  }
0x17e: {  	v9 =	vshll.u32 v9, $0x4  }
0x17f: {  	v11 =	vadd.s32 v2, v9  }
0x180: {  	vm0 =	vgt.s32 v10, v11  }
0x181: {  	v10 =	vsel vm0, $0x0, v6  }
0x182: {  	v12 =	vor.u32 $0xF, v10;
	_ =	sdelay $0x4  }
0x183: {  	v12 =	vld.idx.msk [tilespmem:v12+s12+$0x0], $0xffff;
	_ =	sdelay $0x4  }
0x184: {  	v60 =	vor.u32 $0x10, v10;
	vm10 =	vgt.s32 v12, v11  }
0x185: {  	v10 =	vsel vm10, v10, v60  }
0x186: {  	v12 =	vor.u32 $0x7, v10;
	_ =	sdelay $0x4  }
0x187: {  	v12 =	vld.idx.msk [tilespmem:v12+s12+$0x0], $0xffff;
	_ =	sdelay $0x4  }
0x188: {  	v61 =	vor.u32 $0x8, v10;
	vm11 =	vgt.s32 v12, v11  }
0x189: {  	v10 =	vsel vm11, v10, v61  }
0x18a: {  	v12 =	vor.u32 $0x3, v10;
	_ =	sdelay $0x4  }
0x18b: {  	v12 =	vld.idx.msk [tilespmem:v12+s12+$0x0], $0xffff;
	_ =	sdelay $0x4  }
0x18c: {  	v62 =	vor.u32 $0x4, v10;
	vm12 =	vgt.s32 v12, v11  }
0x18d: {  	v10 =	vsel vm12, v10, v62  }
0x18e: {  	v12 =	vadd.s32 $0x1, v10;
	_ =	sdelay $0x4  }
0x18f: {  	v12 =	vld.idx.msk [tilespmem:v12+s12+$0x0], $0xffff;
	_ =	sdelay $0x4  }
0x190: {  	v63 =	vadd.s32 $0x2, v10;
	vm13 =	vgt.s32 v12, v11  }
0x191: {  	v10 =	vsel vm13, v10, v63;
	_ =	sdelay $0x4  }
0x192: {  	v12 =	vld.idx.msk [tilespmem:v10+s12+$0x0], $0xffff;
	_ =	sdelay $0x2  }
0x193: {  	s0 =	sadd.s32 $0x1, s0  }
0x194: {  	p0 =	sne.s32 s15, s0;
	v9 =	vor.u32 v0, v9  }
.Ltmp4:
0x195: {  	vm14 =	vle.s32 v12, v11;
	(pc) =	sbr.rel @p0 .LBB2_5-.Ltmp4, $4  }
0x196: {  	v12 =	vsel vm14, $0x1, v3  }
0x197: {  	vm15 =	vlt.s32 v11, v8;
	v10 =	vadd.s32 v12, v10  }
0x198: {  	v10 =	vsel vm15, v10, v7  }
0x199: {  	[tilespmem:v9+s11+$0x0] =	vst.idx.msk $0xffff, v10  }
.Ltmp5:
0x19a: {  	_ = 	snop;
	(pc) =	sbr.rel .LBB2_6-.Ltmp5, $1  }
0x19b: {  	_ =	sdelay $0x3  }
.LBB2_7:
0x19c: {  	_ =	sfence.sel $0x180000  }
0x19d: {  	[bflag:$0x0] =	sbarrier.arrive $0xFFFF  }
0x19e: {  	_ =	strace $0x90000047  }
0x19f: {  	s0 =	stileid.u32;
	[bflag:$0x2] =	sbarrier.arrive $0xFFFF  }
0x1a0: {  	p0 =	sne.s32 s0, $0x0;
	s0 =	rddreg [dreg:$0x3]  }
0x1a1: {  	s0 =	sadd.s32 @!p0 $0x100000, s0  }
0x1a2: {  	[sflag:s0] =	ssyncadd.tile.s32 @!p0 $0x1;
	_ =	shalt  }
.Lfunc_end2:
_tile_overlayer_lowered:
.L_overlay_start_2:
0x1a3: {  	(tag) =	ssettag $0x2  }
0x1a4: {  	s0 =	rddreg [dreg:$0x0];
	s2 =	stileid.u32  }
0x1a5: {  	s1 =	rddreg [dreg:$0x1];
	p0 =	sne.s32 s2, $0x0  }
0x1a6: {  	s3 =	rddreg [dreg:$0x2];
	[bflag:$0x3] =	sbarrier.arrive $0xFFFF;
	s2 =	simm.s32 @!p0 $0x1C02  }
0x1a7: {  	[timem:s3], [sflag:s2] =	dma.local @!p0 [hbm:s0], s1  }
0x1a8: {  	s0 =	simm.s32 @!p0 $0x2  }
0x1a9: {  	_ =	swait.ge @!p0 [sflag:s0], s1  }
0x1aa: {  	s1 =	ssub.s32 @!p0 $0x0, s1;
	[sflag:s0] =	ssyncset.done @!p0 $0x0  }
0x1ab: {  	[sflag:s0] =	ssyncadd.s32 @!p0 s1  }
0x1ac: {  	[bflag:$0x3] =	sbarrier.arrive $0xFFFF  }
0x1ad: {  	_ =	shalt  }

</sc_bundles>
